<compile_context>
chip_gen: v7x
topology: tpu7x:2x2x1
jax: 0.10.2.dev20260603
libtpu: 0.0.44.dev20260713+nightly
codegen_flags: <defaults>
</compile_context>

<pallas_src>
import functools

import jax
import jax.numpy as jnp
from jax import lax
from jax.experimental import pallas as pl
from jax.experimental.pallas import tpu as pltpu
from jax.experimental.pallas import tpu_sc as plsc


def _dg(x, idx):
    return lax.gather(
        x, idx[:, None],
        dimension_numbers=lax.GatherDimensionNumbers(
            offset_dims=(), collapsed_slice_dims=(0,), start_index_map=(0,)),
        slice_sizes=(1,), mode=lax.GatherScatterMode.PROMISE_IN_BOUNDS)


def _zero_ref(ref, n, dtype=jnp.float32):
    zero = jnp.zeros((16,), dtype)
    def body(i, _):
        ref[pl.ds(i * 16, 16)] = zero
        return 0
    lax.fori_loop(0, n // 16, body, 0)


def _fill_ref(ref, n, value, dtype=jnp.float32):
    v = jnp.full((16,), value, dtype)
    def body(i, _):
        ref[pl.ds(i * 16, 16)] = v
        return 0
    lax.fori_loop(0, n // 16, body, 0)


def _make_sc_kernels(N, E, D, K):
    NPAD = 10240
    TOT = E + N
    mesh = plsc.VectorSubcoreMesh(core_axis_name="c", subcore_axis_name="s")
    EW16 = E // 16
    EW32 = E // 32

    @functools.partial(
        pl.kernel, mesh=mesh,
        compiler_params=pltpu.CompilerParams(needs_layout_passes=False),
        out_type=jax.ShapeDtypeStruct((N,), jnp.float32),
        scratch_types=[
            pltpu.VMEM((EW16,), jnp.int32),
            pltpu.VMEM((EW16,), jnp.float32),
            pltpu.VMEM((NPAD,), jnp.float32),
            pltpu.VMEM_SHARED((NPAD,), jnp.float32),
        ],
    )
    def deg_kernel(col_hbm, out_hbm, idx_v, ones_v, zbuf_v, hist_sp):
        cid = lax.axis_index("c")
        sid = lax.axis_index("s")

        @pl.when(cid == 0)
        def _():
            @pl.when(sid == 0)
            def _():
                _zero_ref(zbuf_v, NPAD)
                pltpu.sync_copy(zbuf_v, hist_sp)
            plsc.subcore_barrier()
            pltpu.sync_copy(col_hbm.at[pl.ds(sid * EW16, EW16)], idx_v)
            _fill_ref(ones_v, EW16, 1.0)
            pltpu.sync_copy(ones_v, hist_sp.at[idx_v], add=True)
            plsc.subcore_barrier()

            @pl.when(sid == 0)
            def _():
                pltpu.sync_copy(hist_sp.at[pl.ds(0, N)], zbuf_v.at[pl.ds(0, N)])
                pltpu.sync_copy(zbuf_v.at[pl.ds(0, N)], out_hbm)

    @functools.partial(
        pl.kernel, mesh=mesh,
        compiler_params=pltpu.CompilerParams(needs_layout_passes=False),
        out_type=jax.ShapeDtypeStruct((E,), jnp.float32),
        scratch_types=[
            pltpu.VMEM((EW32,), jnp.int32),
            pltpu.VMEM((EW32,), jnp.int32),
            pltpu.VMEM((N,), jnp.float32),
            pltpu.VMEM((N,), jnp.float32),
            pltpu.VMEM((EW32,), jnp.float32),
        ],
    )
    def msg_kernel(row_hbm, col_hbm, dinv_hbm, h_hbm, out_hbm,
                   row_v, col_v, dinv_v, h_v, out_v):
        cid = lax.axis_index("c")
        sid = lax.axis_index("s")
        wid = sid * 2 + cid
        base = wid * EW32
        pltpu.sync_copy(row_hbm.at[pl.ds(base, EW32)], row_v)
        pltpu.sync_copy(col_hbm.at[pl.ds(base, EW32)], col_v)
        pltpu.sync_copy(dinv_hbm, dinv_v)
        pltpu.sync_copy(h_hbm, h_v)

        def body(i, _):
            r = row_v[pl.ds(i * 16, 16)]
            c = col_v[pl.ds(i * 16, 16)]
            dr = plsc.load_gather(dinv_v, [r])
            dc = plsc.load_gather(dinv_v, [c])
            hr = plsc.load_gather(h_v, [r])
            out_v[pl.ds(i * 16, 16)] = (dr * dc) * hr
            return 0
        lax.fori_loop(0, EW32 // 16, body, 0)
        pltpu.sync_copy(out_v, out_hbm.at[pl.ds(base, EW32)])

    NW = -(-TOT // 6000)
    PERW, REMW = NW // 16, NW % 16
    MAXLEN = 6000 * (PERW + 1)

    @functools.partial(
        pl.kernel, mesh=mesh,
        compiler_params=pltpu.CompilerParams(needs_layout_passes=False),
        out_type=jax.ShapeDtypeStruct((N,), jnp.float32),
        scratch_types=[
            pltpu.VMEM((MAXLEN,), jnp.int32),
            pltpu.VMEM((MAXLEN,), jnp.float32),
            pltpu.VMEM((NPAD,), jnp.float32),
            pltpu.VMEM((NPAD,), jnp.float32),
            pltpu.VMEM((NPAD,), jnp.int32),
            pltpu.VMEM_SHARED((NPAD,), jnp.float32),
        ],
    )
    def seg_kernel(ids_hbm, vals_hbm, out_hbm, ids_v, vals_v, acc_v,
                   zbuf_v, idxall_v, acc_sp):
        cid = lax.axis_index("c")
        sid = lax.axis_index("s")
        iota = lax.iota(jnp.int32, 16)
        zf = jnp.zeros((16,), jnp.float32)

        @pl.when(cid == 0)
        def _():
            @pl.when(sid == 0)
            def _():
                _zero_ref(zbuf_v, NPAD)
                pltpu.sync_copy(zbuf_v, acc_sp)
            plsc.subcore_barrier()

            w0 = sid * PERW + jnp.minimum(sid, REMW)
            nwin = PERW + jnp.where(sid < REMW, 1, 0)
            start = w0 * 6000
            length = jnp.minimum(start + nwin * 6000, TOT) - start
            pltpu.sync_copy(
                ids_hbm.at[pl.ds(start, 6000 * PERW)], ids_v.at[pl.ds(0, 6000 * PERW)])
            pltpu.sync_copy(
                vals_hbm.at[pl.ds(start, 6000 * PERW)], vals_v.at[pl.ds(0, 6000 * PERW)])

            @pl.when(sid < REMW)
            def _():
                s2 = jnp.minimum(start + 6000 * PERW, TOT - 6000)
                pltpu.sync_copy(ids_hbm.at[pl.ds(s2, 6000)],
                                ids_v.at[pl.ds(6000 * PERW, 6000)])
                pltpu.sync_copy(vals_hbm.at[pl.ds(s2, 6000)],
                                vals_v.at[pl.ds(6000 * PERW, 6000)])
            _zero_ref(acc_v, NPAD)

            nchunks = length // 16

            def chunk(c, carry_vec):
                cc = c * 16
                ids_c = ids_v[pl.ds(cc, 16)]
                vals_c = vals_v[pl.ds(cc, 16)]
                prev = plsc.load_gather(ids_v, [jnp.maximum(iota + cc - 1, 0)])
                b = (ids_c != prev) | ((iota == 0) & (c == 0))
                bi = b.astype(jnp.int32)
                b0 = _dg(bi, iota * 0)
                emitp = (iota == 0) & (b0 == 1) & (c > 0)
                plsc.addupdate_scatter(acc_v, [prev], carry_vec, mask=emitp)
                cvec = jnp.where((iota == 0) & (b0 == 0), carry_vec, zf)
                x = vals_c + cvec
                bb = bi
                for d in (1, 2, 4, 8):
                    sidx = jnp.maximum(iota - d, 0)
                    xs = _dg(x, sidx)
                    bs = _dg(bb, sidx)
                    can = (iota >= d) & (bb == 0)
                    x = jnp.where(can, x + xs, x)
                    bb = jnp.where(can, bs, bb)
                bnext = _dg(bi, jnp.minimum(iota + 1, 15))
                emask = (iota < 15) & (bnext == 1)
                plsc.addupdate_scatter(acc_v, [ids_c], x, mask=emask)
                x15 = _dg(x, iota * 0 + 15)
                return jnp.where(iota == 0, x15, zf)

            carry = lax.fori_loop(0, nchunks, chunk, zf)
            idl = plsc.load_gather(ids_v, [iota * 0 + (length - 1)])
            plsc.addupdate_scatter(acc_v, [idl], carry, mask=(iota == 0))

            def ibody(i, _):
                idxall_v[pl.ds(i * 16, 16)] = iota + i * 16
                return 0
            lax.fori_loop(0, NPAD // 16, ibody, 0)
            pltpu.sync_copy(acc_v, acc_sp.at[idxall_v], add=True)
            plsc.subcore_barrier()

            @pl.when(sid == 0)
            def _():
                pltpu.sync_copy(acc_sp.at[pl.ds(0, N)], zbuf_v.at[pl.ds(0, N)])
                pltpu.sync_copy(zbuf_v.at[pl.ds(0, N)], out_hbm)

    PW = NPAD // 16

    @functools.partial(
        pl.kernel, mesh=mesh,
        compiler_params=pltpu.CompilerParams(needs_layout_passes=False),
        out_type=[jax.ShapeDtypeStruct((NPAD,), jnp.int32),
                  jax.ShapeDtypeStruct((E,), jnp.float32)],
        scratch_types=[
            pltpu.VMEM((PW,), jnp.int32),
            pltpu.VMEM((PW,), jnp.int32),
            pltpu.VMEM((EW32,), jnp.int32),
            pltpu.VMEM((EW32,), jnp.int32),
            pltpu.VMEM((N,), jnp.float32),
            pltpu.VMEM((EW32,), jnp.float32),
            pltpu.VMEM((NPAD,), jnp.int32),
            pltpu.VMEM_SHARED((NPAD,), jnp.int32),
        ],
    )
    def final_kernel(rank_hbm, row_hbm, col_hbm, mask_hbm,
                     perm_hbm, ew_hbm,
                     rank_v, val_v, row_v, col_v, mask_v, ew_v, pbuf_v,
                     perm_sp):
        cid = lax.axis_index("c")
        sid = lax.axis_index("s")
        wid = sid * 2 + cid
        iota = lax.iota(jnp.int32, 16)

        base = wid * EW32
        pltpu.sync_copy(row_hbm.at[pl.ds(base, EW32)], row_v)
        pltpu.sync_copy(col_hbm.at[pl.ds(base, EW32)], col_v)
        pltpu.sync_copy(mask_hbm, mask_v)

        def body(i, _):
            r = row_v[pl.ds(i * 16, 16)]
            c = col_v[pl.ds(i * 16, 16)]
            mr = plsc.load_gather(mask_v, [r])
            mc = plsc.load_gather(mask_v, [c])
            s = mr + mc
            ew_v[pl.ds(i * 16, 16)] = jnp.where(
                s == 2.0, jnp.full((16,), 1.0, jnp.float32),
                jnp.zeros((16,), jnp.float32))
            return 0
        lax.fori_loop(0, EW32 // 16, body, 0)
        pltpu.sync_copy(ew_v, ew_hbm.at[pl.ds(base, EW32)])

        @pl.when(cid == 0)
        def _():
            pbase = sid * PW
            pltpu.sync_copy(rank_hbm.at[pl.ds(pbase, PW)], rank_v)

            def vbody(i, _):
                val_v[pl.ds(i * 16, 16)] = iota + (pbase + i * 16)
                return 0
            lax.fori_loop(0, PW // 16, vbody, 0)
            pltpu.sync_copy(val_v, perm_sp.at[rank_v])
            plsc.subcore_barrier()

            @pl.when(sid == 0)
            def _():
                pltpu.sync_copy(perm_sp, pbuf_v)
                pltpu.sync_copy(pbuf_v, perm_hbm)

    return deg_kernel, msg_kernel, seg_kernel, final_kernel


def _tc_h(x, W, b):
    N, D = x.shape

    def body(x_ref, w_ref, b_ref, o_ref):
        o_ref[...] = jnp.dot(x_ref[...], w_ref[...],
                             preferred_element_type=jnp.float32) + b_ref[0]

    return pl.pallas_call(
        body, out_shape=jax.ShapeDtypeStruct((N, 1), jnp.float32),
    )(x, W, b)


def _tc_prep(deghist, h):
    N = deghist.shape[0]

    def body(d_ref, h_ref, dinv_ref, ms_ref):
        deg = d_ref[...] + 1.0
        dinv = jnp.where(deg > 0, lax.rsqrt(deg), 0.0)
        dinv_ref[...] = dinv
        ms_ref[...] = (dinv * dinv) * h_ref[...]

    return pl.pallas_call(
        body,
        out_shape=[jax.ShapeDtypeStruct((N,), jnp.float32),
                   jax.ShapeDtypeStruct((N,), jnp.float32)],
    )(deghist, h)


def _tc_rank(s, x, K):
    N, D = x.shape
    R = 200
    G = N // R

    def body(s_ref, si_ref, x_ref, x2_ref, rank_ref, mask_ref):
        i = pl.program_id(0)
        score_all = jnp.tanh(s_ref[...])
        bits = lax.bitcast_convert_type(score_all, jnp.int32)
        keys = jnp.where(bits < 0, bits ^ 0x7FFFFFFF, bits)
        kj = keys.reshape(1, N)
        score_i = jnp.tanh(si_ref[...].reshape(R))
        bits_i = lax.bitcast_convert_type(score_i, jnp.int32)
        ki = jnp.where(bits_i < 0, bits_i ^ 0x7FFFFFFF, bits_i).reshape(R, 1)
        jj = lax.broadcasted_iota(jnp.int32, (1, N), 1)
        ii = lax.broadcasted_iota(jnp.int32, (R, 1), 0) + i * R
        ahead = (kj > ki) | ((kj == ki) & (jj < ii))
        rank = jnp.sum(jnp.where(ahead, 1, 0), axis=1)
        rank_ref[...] = rank.reshape(1, 1, R)
        maskf = jnp.where(rank < K, 1.0, 0.0)
        mask_ref[...] = maskf.reshape(1, 1, R)
        x2_ref[...] = (x_ref[...] * score_i[:, None]) * maskf[:, None]

    return pl.pallas_call(
        body,
        grid=(G,),
        in_specs=[
            pl.BlockSpec((N,), lambda i: (0,)),
            pl.BlockSpec((1, 1, R), lambda i: (i, 0, 0)),
            pl.BlockSpec((R, D), lambda i: (i, 0)),
        ],
        out_specs=[
            pl.BlockSpec((R, D), lambda i: (i, 0)),
            pl.BlockSpec((1, 1, R), lambda i: (i, 0, 0)),
            pl.BlockSpec((1, 1, R), lambda i: (i, 0, 0)),
        ],
        out_shape=[jax.ShapeDtypeStruct((N, D), jnp.float32),
                   jax.ShapeDtypeStruct((G, 1, R), jnp.int32),
                   jax.ShapeDtypeStruct((G, 1, R), jnp.float32)],
    )(s, s.reshape(G, 1, R), x)


def kernel(x, edge_index, W, b):
    N, D = x.shape
    E = edge_index.shape[1]
    K = (N + 1) // 2
    NPAD = 10240

    row = edge_index[0]
    col = edge_index[1]
    deg_kernel, msg_kernel, seg_kernel, final_kernel = _make_sc_kernels(
        N, E, D, K)

    deghist = deg_kernel(col)
    h2 = _tc_h(x, W, b)
    h = h2.reshape(-1)
    dinv, msg_self = _tc_prep(deghist, h)
    msg_edges = msg_kernel(row, col, dinv, h)

    loop = jnp.arange(N, dtype=row.dtype)
    col_f = jnp.concatenate([col, loop])
    msg_f = jnp.concatenate([msg_edges, msg_self])
    ids_s, vals_s = lax.sort((col_f, msg_f), dimension=0, num_keys=1,
                             is_stable=False)

    s = seg_kernel(ids_s, vals_s)
    x2, rank3, mask3 = _tc_rank(s, x, K)
    rank = rank3.reshape(N)
    maskf = mask3.reshape(N)

    rank_pad = jnp.concatenate([rank, jnp.arange(N, NPAD, dtype=jnp.int32)])
    perm_pad, ew = final_kernel(rank_pad, row, col, maskf)
    perm = perm_pad[:K]
    batch = jnp.zeros((N,), dtype=jnp.int32)
    return (x2, edge_index, ew, batch, perm)

# --- scband reference (transcript-rebuilt; emitter-appended) ---
"""Pipeline reference for scband-sagpool-55233279426756 (READ-ONLY COPY).

The authoritative reference and input builder live on the scoring server;
editing this copy changes nothing except your own understanding.
"""

import jax, jax.numpy as jnp
import numpy as np

N = 10000
E = 320000
D = 128
RATIO = 0.5


def setup_inputs(seed: int = 0) -> dict:
    key = jax.random.key(seed)
    k1, k2, k3 = jax.random.split(key, 3)
    x = jax.random.normal(k1, (N, D), dtype=jnp.float32)
    edge_index = jax.random.randint(k2, (2, E), 0, N, dtype=jnp.int32)
    # GCNConv(in_channels=128, out_channels=1) parameters (glorot init)
    W = jax.random.normal(k3, (D, 1), dtype=jnp.float32) * (1.0 / np.sqrt(D))
    b = jnp.zeros((1,), dtype=jnp.float32)
    return {"x": x, "edge_index": edge_index, "W": W, "b": b}


def reference(x, edge_index, W, b):
    n = x.shape[0]
    row = edge_index[0]
    col = edge_index[1]
    # edge_weight defaults to ones inside forward
    edge_weight = jnp.ones((edge_index.shape[1],), dtype=jnp.float32)
    # --- GCNConv scoring (gcn_norm with self-loops, flow source->target) ---
    loop = jnp.arange(n, dtype=row.dtype)
    row_f = jnp.concatenate([row, loop])
    col_f = jnp.concatenate([col, loop])
    w_f = jnp.concatenate([edge_weight, jnp.ones((n,), dtype=jnp.float32)])
    deg = jax.ops.segment_sum(w_f, col_f, num_segments=n)
    dinv = jnp.where(deg > 0, 1.0 / jnp.sqrt(deg), 0.0)
    norm = dinv[row_f] * w_f * dinv[col_f]
    h = x @ W + b  # [N, 1]
    msg = norm[:, None] * h[row_f]
    score = jax.ops.segment_sum(msg, col_f, num_segments=n).reshape(-1)
    # min_score is None -> nonlinearity (tanh)
    score = jnp.tanh(score)
    # topk: batch is all zeros (single graph) -> k = ceil(ratio * N)
    k = int(np.ceil(RATIO * n))
    _, perm = jax.lax.top_k(score, k)
    # ft=False branch: build mask, scale features, mask edges
    mask = jnp.zeros((n,), dtype=jnp.float32).at[perm].set(1.0)
    x1 = x * score[:, None]
    x2 = x1 * mask[:, None]
    new_edge_weights = mask[row] + mask[col]
    edges_mask = jnp.where(new_edge_weights != 2.0, 0.0, 1.0)
    edge_weight2 = edge_weight * edges_mask
    batch = jnp.zeros((n,), dtype=jnp.int32)
    return (x2, edge_index, edge_weight2, batch, perm)

if __name__ == "__main__":
    import jax
    _d = setup_inputs()
    print(jax.jit(kernel)(*tuple(_d.values())))

</pallas_src>

<mosaic_0001>
#map = affine_map<(d0, d1) -> (0)>
module attributes {stable_mosaic.version = 14 : i64} {
  func.func @msg_kernel(%arg0: i32, %arg1: i32, %arg2: memref<320000xi32, #tpu.memory_space<hbm>>, %arg3: memref<320000xi32, #tpu.memory_space<hbm>>, %arg4: memref<10000xf32, #tpu.memory_space<hbm>>, %arg5: memref<10000xf32, #tpu.memory_space<hbm>>, %arg6: memref<320000xf32, #tpu.memory_space<hbm>>, %arg7: memref<10000xi32, #tpu.memory_space<vmem>>, %arg8: memref<10000xi32, #tpu.memory_space<vmem>>, %arg9: memref<10000xf32, #tpu.memory_space<vmem>>, %arg10: memref<10000xf32, #tpu.memory_space<vmem>>, %arg11: memref<10000xf32, #tpu.memory_space<vmem>>) attributes {dimension_semantics = [#tpu.dimension_semantics<core_parallel>, #tpu.dimension_semantics<subcore_parallel>], iteration_bounds = array<i64: 2, 16>, scalar_prefetch = 0 : i64, scratch_operands = 5 : i64, tpu.core_type = #tpu.core_type<sc_vector_subcore>, window_params = [{transform_indices = #map}, {transform_indices = #map}, {transform_indices = #map}, {transform_indices = #map}, {transform_indices = #map}]} {
    %mul3A = arith.constant 2 : i32
    %mul3A_0 = arith.muli %arg1, %mul3A : i32
    %add3A = arith.addi %mul3A_0, %arg0 : i32
    %mul3A_1 = arith.constant 10000 : i32
    %mul3A_2 = arith.muli %add3A, %mul3A_1 : i32
    "tpu.region"() ({
      %run_scoped3A = tpu.sem_alloc : memref<!tpu.dma_semaphore, #tpu.memory_space<semaphore_mem>>
      %dma_start3A = tpu.memref_slice %arg2[%mul3A_2] : memref<320000xi32, #tpu.memory_space<hbm>> -> memref<10000xi32, #tpu.memory_space<hbm>>
      %dma_start3A_9 = tpu.memref_slice %arg2[%mul3A_2] : memref<320000xi32, #tpu.memory_space<hbm>> -> memref<10000xi32, #tpu.memory_space<hbm>>
      tpu.enqueue_dma source(%dma_start3A_9 : memref<10000xi32, #tpu.memory_space<hbm>>) target(%arg7 : memref<10000xi32, #tpu.memory_space<vmem>>) target_semaphore(%run_scoped3A : memref<!tpu.dma_semaphore, #tpu.memory_space<semaphore_mem>>)
      %dma_wait3A = tpu.memref_slice %arg2[%mul3A_2] : memref<320000xi32, #tpu.memory_space<hbm>> -> memref<10000xi32, #tpu.memory_space<hbm>>
      %dma_wait3A_10 = tpu.memref_slice %arg2[%mul3A_2] : memref<320000xi32, #tpu.memory_space<hbm>> -> memref<10000xi32, #tpu.memory_space<hbm>>
      tpu.wait_dma2 semaphore(%run_scoped3A : memref<!tpu.dma_semaphore, #tpu.memory_space<semaphore_mem>>) src(%dma_wait3A_10 : memref<10000xi32, #tpu.memory_space<hbm>>) dst(%arg7 : memref<10000xi32, #tpu.memory_space<vmem>>)
      tpu.yield
    }) : () -> ()
    "tpu.region"() ({
      %run_scoped3A = tpu.sem_alloc : memref<!tpu.dma_semaphore, #tpu.memory_space<semaphore_mem>>
      %dma_start3A = tpu.memref_slice %arg3[%mul3A_2] : memref<320000xi32, #tpu.memory_space<hbm>> -> memref<10000xi32, #tpu.memory_space<hbm>>
      %dma_start3A_9 = tpu.memref_slice %arg3[%mul3A_2] : memref<320000xi32, #tpu.memory_space<hbm>> -> memref<10000xi32, #tpu.memory_space<hbm>>
      tpu.enqueue_dma source(%dma_start3A_9 : memref<10000xi32, #tpu.memory_space<hbm>>) target(%arg8 : memref<10000xi32, #tpu.memory_space<vmem>>) target_semaphore(%run_scoped3A : memref<!tpu.dma_semaphore, #tpu.memory_space<semaphore_mem>>)
      %dma_wait3A = tpu.memref_slice %arg3[%mul3A_2] : memref<320000xi32, #tpu.memory_space<hbm>> -> memref<10000xi32, #tpu.memory_space<hbm>>
      %dma_wait3A_10 = tpu.memref_slice %arg3[%mul3A_2] : memref<320000xi32, #tpu.memory_space<hbm>> -> memref<10000xi32, #tpu.memory_space<hbm>>
      tpu.wait_dma2 semaphore(%run_scoped3A : memref<!tpu.dma_semaphore, #tpu.memory_space<semaphore_mem>>) src(%dma_wait3A_10 : memref<10000xi32, #tpu.memory_space<hbm>>) dst(%arg8 : memref<10000xi32, #tpu.memory_space<vmem>>)
      tpu.yield
    }) : () -> ()
    "tpu.region"() ({
      %run_scoped3A = tpu.sem_alloc : memref<!tpu.dma_semaphore, #tpu.memory_space<semaphore_mem>>
      tpu.enqueue_dma source(%arg4 : memref<10000xf32, #tpu.memory_space<hbm>>) target(%arg9 : memref<10000xf32, #tpu.memory_space<vmem>>) target_semaphore(%run_scoped3A : memref<!tpu.dma_semaphore, #tpu.memory_space<semaphore_mem>>)
      tpu.wait_dma2 semaphore(%run_scoped3A : memref<!tpu.dma_semaphore, #tpu.memory_space<semaphore_mem>>) src(%arg4 : memref<10000xf32, #tpu.memory_space<hbm>>) dst(%arg9 : memref<10000xf32, #tpu.memory_space<vmem>>)
      tpu.yield
    }) : () -> ()
    "tpu.region"() ({
      %run_scoped3A = tpu.sem_alloc : memref<!tpu.dma_semaphore, #tpu.memory_space<semaphore_mem>>
      tpu.enqueue_dma source(%arg5 : memref<10000xf32, #tpu.memory_space<hbm>>) target(%arg10 : memref<10000xf32, #tpu.memory_space<vmem>>) target_semaphore(%run_scoped3A : memref<!tpu.dma_semaphore, #tpu.memory_space<semaphore_mem>>)
      tpu.wait_dma2 semaphore(%run_scoped3A : memref<!tpu.dma_semaphore, #tpu.memory_space<semaphore_mem>>) src(%arg5 : memref<10000xf32, #tpu.memory_space<hbm>>) dst(%arg10 : memref<10000xf32, #tpu.memory_space<vmem>>)
      tpu.yield
    }) : () -> ()
    %scan3A = arith.constant 0 : i32
    %scan3A_3 = arith.constant 0 : i32
    %scan3A_4 = arith.constant 625 : i32
    %scan3A_5 = arith.addi %scan3A_3, %scan3A_4 : i32
    %scan3A_6 = arith.constant 1 : i32
    %scan3A_7 = scf.for %scan3A_9 = %scan3A_3 to %scan3A_5 step %scan3A_6 iter_args(%scan3A_10 = %scan3A) -> (i32)  : i32 {
      %mul3A_11 = arith.constant 16 : i32
      %mul3A_12 = arith.muli %scan3A_9, %mul3A_11 : i32
      %get3A = arith.index_cast %mul3A_12 : i32 to index
      %get3A_13 = tpu.vector_load %arg7[%get3A] {strides = array<i32>} : memref<10000xi32, #tpu.memory_space<vmem>>, vector<16xi32>,
      %mul3A_14 = arith.constant 16 : i32
      %mul3A_15 = arith.muli %scan3A_9, %mul3A_14 : i32
      %get3A_16 = arith.index_cast %mul3A_15 : i32 to index
      %get3A_17 = tpu.vector_load %arg8[%get3A_16] {strides = array<i32>} : memref<10000xi32, #tpu.memory_space<vmem>>, vector<16xi32>,
      %gather3A = tpu.vector_load_idx %arg9[%get3A_13] : memref<10000xf32, #tpu.memory_space<vmem>>[vector<16xi32>], vector<16xf32>,
      %gather3A_18 = tpu.vector_load_idx %arg9[%get3A_17] : memref<10000xf32, #tpu.memory_space<vmem>>[vector<16xi32>], vector<16xf32>,
      %gather3A_19 = tpu.vector_load_idx %arg10[%get3A_13] : memref<10000xf32, #tpu.memory_space<vmem>>[vector<16xi32>], vector<16xf32>,
      %mul3A_20 = arith.mulf %gather3A, %gather3A_18 : vector<16xf32>
      %mul3A_21 = arith.mulf %mul3A_20, %gather3A_19 : vector<16xf32>
      %mul3A_22 = arith.constant 16 : i32
      %mul3A_23 = arith.muli %scan3A_9, %mul3A_22 : i32
      %swap3A = arith.index_cast %mul3A_23 : i32 to index
      %swap3A_24 = tpu.vector_load %arg11[%swap3A] {strides = array<i32>} : memref<10000xf32, #tpu.memory_space<vmem>>, vector<16xf32>,
      tpu.vector_store %arg11[%swap3A], %mul3A_21 {strides = array<i32>} : memref<10000xf32, #tpu.memory_space<vmem>>, vector<16xf32>,
      %scan3A_25 = arith.constant 0 : i32
      scf.yield %scan3A_25 : i32
    }
    %scan3A_8 = arith.constant 625 : i32
    "tpu.region"() ({
      %run_scoped3A = tpu.sem_alloc : memref<!tpu.dma_semaphore, #tpu.memory_space<semaphore_mem>>
      %dma_start3A = tpu.memref_slice %arg6[%mul3A_2] : memref<320000xf32, #tpu.memory_space<hbm>> -> memref<10000xf32, #tpu.memory_space<hbm>>
      %dma_start3A_9 = tpu.memref_slice %arg6[%mul3A_2] : memref<320000xf32, #tpu.memory_space<hbm>> -> memref<10000xf32, #tpu.memory_space<hbm>>
      tpu.enqueue_dma source(%arg11 : memref<10000xf32, #tpu.memory_space<vmem>>) target(%dma_start3A_9 : memref<10000xf32, #tpu.memory_space<hbm>>) target_semaphore(%run_scoped3A : memref<!tpu.dma_semaphore, #tpu.memory_space<semaphore_mem>>)
      %dma_wait3A = tpu.memref_slice %arg6[%mul3A_2] : memref<320000xf32, #tpu.memory_space<hbm>> -> memref<10000xf32, #tpu.memory_space<hbm>>
      %dma_wait3A_10 = tpu.memref_slice %arg6[%mul3A_2] : memref<320000xf32, #tpu.memory_space<hbm>> -> memref<10000xf32, #tpu.memory_space<hbm>>
      tpu.wait_dma2 semaphore(%run_scoped3A : memref<!tpu.dma_semaphore, #tpu.memory_space<semaphore_mem>>) src(%arg11 : memref<10000xf32, #tpu.memory_space<vmem>>) dst(%dma_wait3A_10 : memref<10000xf32, #tpu.memory_space<hbm>>)
      tpu.yield
    }) : () -> ()
    return
  }
}

#map = affine_map<(d0, d1) -> (0)>
module attributes {stable_mosaic.version = 14 : i64} {
  func.func @deg_kernel(%arg0: i32, %arg1: i32, %arg2: memref<320000xi32, #tpu.memory_space<hbm>>, %arg3: memref<10000xf32, #tpu.memory_space<hbm>>, %arg4: memref<20000xi32, #tpu.memory_space<vmem>>, %arg5: memref<20000xf32, #tpu.memory_space<vmem>>, %arg6: memref<10240xf32, #tpu.memory_space<vmem>>, %arg7: memref<10240xf32, #tpu.memory_space<vmem_shared>>) attributes {dimension_semantics = [#tpu.dimension_semantics<core_parallel>, #tpu.dimension_semantics<subcore_parallel>], iteration_bounds = array<i64: 2, 16>, scalar_prefetch = 0 : i64, scratch_operands = 4 : i64, tpu.core_type = #tpu.core_type<sc_vector_subcore>, window_params = [{transform_indices = #map}, {transform_indices = #map}]} {
    %eq3A = arith.constant 0 : i32
    %eq3A_0 = arith.cmpi eq, %arg0, %eq3A : i32
    %convert_element_type3A = arith.extui %eq3A_0 : i1 to i32
    %cond3A = arith.constant 0 : i32
    %cond3A_1 = arith.cmpi ne, %convert_element_type3A, %cond3A : i32
    scf.if %cond3A_1 {
      %eq3A_2 = arith.constant 0 : i32
      %eq3A_3 = arith.cmpi eq, %arg1, %eq3A_2 : i32
      %convert_element_type3A_4 = arith.extui %eq3A_3 : i1 to i32
      %cond3A_5 = arith.constant 0 : i32
      %cond3A_6 = arith.cmpi ne, %convert_element_type3A_4, %cond3A_5 : i32
      scf.if %cond3A_6 {
        %broadcast_in_dim3A_21 = arith.constant 0.000000e+00 : f32
        %broadcast_in_dim3A_22 = vector.broadcast %broadcast_in_dim3A_21 : f32 to vector<16xf32>
        %scan3A_23 = arith.constant 0 : i32
        %scan3A_24 = arith.constant 0 : i32
        %scan3A_25 = arith.constant 640 : i32
        %scan3A_26 = arith.addi %scan3A_24, %scan3A_25 : i32
        %scan3A_27 = arith.constant 1 : i32
        %scan3A_28 = scf.for %scan3A_30 = %scan3A_24 to %scan3A_26 step %scan3A_27 iter_args(%scan3A_31 = %scan3A_23) -> (i32)  : i32 {
          %mul3A_32 = arith.constant 16 : i32
          %mul3A_33 = arith.muli %scan3A_30, %mul3A_32 : i32
          %swap3A = arith.index_cast %mul3A_33 : i32 to index
          %swap3A_34 = tpu.vector_load %arg6[%swap3A] {strides = array<i32>} : memref<10240xf32, #tpu.memory_space<vmem>>, vector<16xf32>,
          tpu.vector_store %arg6[%swap3A], %broadcast_in_dim3A_22 {strides = array<i32>} : memref<10240xf32, #tpu.memory_space<vmem>>, vector<16xf32>,
          %scan3A_35 = arith.constant 0 : i32
          scf.yield %scan3A_35 : i32
        }
        %scan3A_29 = arith.constant 640 : i32
        "tpu.region"() ({
          %run_scoped3A = tpu.sem_alloc : memref<!tpu.dma_semaphore, #tpu.memory_space<semaphore_mem>>
          tpu.enqueue_dma source(%arg6 : memref<10240xf32, #tpu.memory_space<vmem>>) target(%arg7 : memref<10240xf32, #tpu.memory_space<vmem_shared>>) target_semaphore(%run_scoped3A : memref<!tpu.dma_semaphore, #tpu.memory_space<semaphore_mem>>)
          tpu.wait_dma2 semaphore(%run_scoped3A : memref<!tpu.dma_semaphore, #tpu.memory_space<semaphore_mem>>) src(%arg6 : memref<10240xf32, #tpu.memory_space<vmem>>) dst(%arg7 : memref<10240xf32, #tpu.memory_space<vmem_shared>>)
          tpu.yield
        }) : () -> ()
      } else {
      }
      %barrier3A = arith.constant 0 : index
      tpu.barrier barrier_id(%barrier3A)
      %mul3A = arith.constant 20000 : i32
      %mul3A_7 = arith.muli %arg1, %mul3A : i32
      "tpu.region"() ({
        %run_scoped3A = tpu.sem_alloc : memref<!tpu.dma_semaphore, #tpu.memory_space<semaphore_mem>>
        %dma_start3A = tpu.memref_slice %arg2[%mul3A_7] : memref<320000xi32, #tpu.memory_space<hbm>> -> memref<20000xi32, #tpu.memory_space<hbm>>
        %dma_start3A_21 = tpu.memref_slice %arg2[%mul3A_7] : memref<320000xi32, #tpu.memory_space<hbm>> -> memref<20000xi32, #tpu.memory_space<hbm>>
        tpu.enqueue_dma source(%dma_start3A_21 : memref<20000xi32, #tpu.memory_space<hbm>>) target(%arg4 : memref<20000xi32, #tpu.memory_space<vmem>>) target_semaphore(%run_scoped3A : memref<!tpu.dma_semaphore, #tpu.memory_space<semaphore_mem>>)
        %dma_wait3A = tpu.memref_slice %arg2[%mul3A_7] : memref<320000xi32, #tpu.memory_space<hbm>> -> memref<20000xi32, #tpu.memory_space<hbm>>
        %dma_wait3A_22 = tpu.memref_slice %arg2[%mul3A_7] : memref<320000xi32, #tpu.memory_space<hbm>> -> memref<20000xi32, #tpu.memory_space<hbm>>
        tpu.wait_dma2 semaphore(%run_scoped3A : memref<!tpu.dma_semaphore, #tpu.memory_space<semaphore_mem>>) src(%dma_wait3A_22 : memref<20000xi32, #tpu.memory_space<hbm>>) dst(%arg4 : memref<20000xi32, #tpu.memory_space<vmem>>)
        tpu.yield
      }) : () -> ()
      %broadcast_in_dim3A = arith.constant 1.000000e+00 : f32
      %broadcast_in_dim3A_8 = vector.broadcast %broadcast_in_dim3A : f32 to vector<16xf32>
      %scan3A = arith.constant 0 : i32
      %scan3A_9 = arith.constant 0 : i32
      %scan3A_10 = arith.constant 1250 : i32
      %scan3A_11 = arith.addi %scan3A_9, %scan3A_10 : i32
      %scan3A_12 = arith.constant 1 : i32
      %scan3A_13 = scf.for %scan3A_21 = %scan3A_9 to %scan3A_11 step %scan3A_12 iter_args(%scan3A_22 = %scan3A) -> (i32)  : i32 {
        %mul3A_23 = arith.constant 16 : i32
        %mul3A_24 = arith.muli %scan3A_21, %mul3A_23 : i32
        %swap3A = arith.index_cast %mul3A_24 : i32 to index
        %swap3A_25 = tpu.vector_load %arg5[%swap3A] {strides = array<i32>} : memref<20000xf32, #tpu.memory_space<vmem>>, vector<16xf32>,
        tpu.vector_store %arg5[%swap3A], %broadcast_in_dim3A_8 {strides = array<i32>} : memref<20000xf32, #tpu.memory_space<vmem>>, vector<16xf32>,
        %scan3A_26 = arith.constant 0 : i32
        scf.yield %scan3A_26 : i32
      }
      %scan3A_14 = arith.constant 1250 : i32
      "tpu.region"() ({
        %run_scoped3A = tpu.sem_alloc : memref<!tpu.dma_semaphore, #tpu.memory_space<semaphore_mem>>
        %dma_start3A = arith.constant 0 : i32
        %dma_start3A_21 = tpu.memref_slice %arg7[%dma_start3A] : memref<10240xf32, #tpu.memory_space<vmem_shared>> -> memref<10240xf32, #tpu.memory_space<vmem_shared>>
        tpu.enqueue_indirect_dma source(%arg5 : memref<20000xf32, #tpu.memory_space<vmem>>) target(%dma_start3A_21 : memref<10240xf32, #tpu.memory_space<vmem_shared>>) offsets(%arg4 : memref<20000xi32, #tpu.memory_space<vmem>>) semaphore(%run_scoped3A : memref<!tpu.dma_semaphore, #tpu.memory_space<semaphore_mem>>) {add = true}
        %dma_wait3A = arith.constant 0 : i32
        %dma_wait3A_22 = tpu.memref_slice %arg7[%dma_wait3A] : memref<10240xf32, #tpu.memory_space<vmem_shared>> -> memref<10240xf32, #tpu.memory_space<vmem_shared>>
        tpu.wait_indirect_dma semaphore(%run_scoped3A : memref<!tpu.dma_semaphore, #tpu.memory_space<semaphore_mem>>) src(%arg5 : memref<20000xf32, #tpu.memory_space<vmem>>) dst(%dma_wait3A_22 : memref<10240xf32, #tpu.memory_space<vmem_shared>>)
        tpu.yield
      }) : () -> ()
      %barrier3A_15 = arith.constant 0 : index
      tpu.barrier barrier_id(%barrier3A_15)
      %eq3A_16 = arith.constant 0 : i32
      %eq3A_17 = arith.cmpi eq, %arg1, %eq3A_16 : i32
      %convert_element_type3A_18 = arith.extui %eq3A_17 : i1 to i32
      %cond3A_19 = arith.constant 0 : i32
      %cond3A_20 = arith.cmpi ne, %convert_element_type3A_18, %cond3A_19 : i32
      scf.if %cond3A_20 {
        "tpu.region"() ({
          %run_scoped3A = tpu.sem_alloc : memref<!tpu.dma_semaphore, #tpu.memory_space<semaphore_mem>>
          %dma_start3A = arith.constant 0 : i32
          %dma_start3A_21 = tpu.memref_slice %arg6[%dma_start3A] : memref<10240xf32, #tpu.memory_space<vmem>> -> memref<10000xf32, #tpu.memory_space<vmem>>
          %dma_start3A_22 = arith.constant 0 : i32
          %dma_start3A_23 = tpu.memref_slice %arg7[%dma_start3A_22] : memref<10240xf32, #tpu.memory_space<vmem_shared>> -> memref<10000xf32, #tpu.memory_space<vmem_shared>>
          %dma_start3A_24 = arith.constant 0 : i32
          %dma_start3A_25 = tpu.memref_slice %arg6[%dma_start3A_24] : memref<10240xf32, #tpu.memory_space<vmem>> -> memref<10000xf32, #tpu.memory_space<vmem>>
          %dma_start3A_26 = arith.constant 0 : i32
          %dma_start3A_27 = tpu.memref_slice %arg7[%dma_start3A_26] : memref<10240xf32, #tpu.memory_space<vmem_shared>> -> memref<10000xf32, #tpu.memory_space<vmem_shared>>
          tpu.enqueue_dma source(%dma_start3A_27 : memref<10000xf32, #tpu.memory_space<vmem_shared>>) target(%dma_start3A_25 : memref<10000xf32, #tpu.memory_space<vmem>>) target_semaphore(%run_scoped3A : memref<!tpu.dma_semaphore, #tpu.memory_space<semaphore_mem>>)
          %dma_wait3A = arith.constant 0 : i32
          %dma_wait3A_28 = tpu.memref_slice %arg6[%dma_wait3A] : memref<10240xf32, #tpu.memory_space<vmem>> -> memref<10000xf32, #tpu.memory_space<vmem>>
          %dma_wait3A_29 = arith.constant 0 : i32
          %dma_wait3A_30 = tpu.memref_slice %arg7[%dma_wait3A_29] : memref<10240xf32, #tpu.memory_space<vmem_shared>> -> memref<10000xf32, #tpu.memory_space<vmem_shared>>
          %dma_wait3A_31 = arith.constant 0 : i32
          %dma_wait3A_32 = tpu.memref_slice %arg6[%dma_wait3A_31] : memref<10240xf32, #tpu.memory_space<vmem>> -> memref<10000xf32, #tpu.memory_space<vmem>>
          %dma_wait3A_33 = arith.constant 0 : i32
          %dma_wait3A_34 = tpu.memref_slice %arg7[%dma_wait3A_33] : memref<10240xf32, #tpu.memory_space<vmem_shared>> -> memref<10000xf32, #tpu.memory_space<vmem_shared>>
          tpu.wait_dma2 semaphore(%run_scoped3A : memref<!tpu.dma_semaphore, #tpu.memory_space<semaphore_mem>>) src(%dma_wait3A_34 : memref<10000xf32, #tpu.memory_space<vmem_shared>>) dst(%dma_wait3A_32 : memref<10000xf32, #tpu.memory_space<vmem>>)
          tpu.yield
        }) : () -> ()
        "tpu.region"() ({
          %run_scoped3A = tpu.sem_alloc : memref<!tpu.dma_semaphore, #tpu.memory_space<semaphore_mem>>
          %dma_start3A = arith.constant 0 : i32
          %dma_start3A_21 = tpu.memref_slice %arg6[%dma_start3A] : memref<10240xf32, #tpu.memory_space<vmem>> -> memref<10000xf32, #tpu.memory_space<vmem>>
          %dma_start3A_22 = arith.constant 0 : i32
          %dma_start3A_23 = tpu.memref_slice %arg6[%dma_start3A_22] : memref<10240xf32, #tpu.memory_space<vmem>> -> memref<10000xf32, #tpu.memory_space<vmem>>
          tpu.enqueue_dma source(%dma_start3A_23 : memref<10000xf32, #tpu.memory_space<vmem>>) target(%arg3 : memref<10000xf32, #tpu.memory_space<hbm>>) target_semaphore(%run_scoped3A : memref<!tpu.dma_semaphore, #tpu.memory_space<semaphore_mem>>)
          %dma_wait3A = arith.constant 0 : i32
          %dma_wait3A_24 = tpu.memref_slice %arg6[%dma_wait3A] : memref<10240xf32, #tpu.memory_space<vmem>> -> memref<10000xf32, #tpu.memory_space<vmem>>
          %dma_wait3A_25 = arith.constant 0 : i32
          %dma_wait3A_26 = tpu.memref_slice %arg6[%dma_wait3A_25] : memref<10240xf32, #tpu.memory_space<vmem>> -> memref<10000xf32, #tpu.memory_space<vmem>>
          tpu.wait_dma2 semaphore(%run_scoped3A : memref<!tpu.dma_semaphore, #tpu.memory_space<semaphore_mem>>) src(%dma_wait3A_26 : memref<10000xf32, #tpu.memory_space<vmem>>) dst(%arg3 : memref<10000xf32, #tpu.memory_space<hbm>>)
          tpu.yield
        }) : () -> ()
      } else {
      }
    } else {
    }
    return
  }
}

#map = affine_map<(d0, d1) -> (0)>
module attributes {stable_mosaic.version = 14 : i64} {
  func.func @final_kernel(%arg0: i32, %arg1: i32, %arg2: memref<10240xi32, #tpu.memory_space<hbm>>, %arg3: memref<320000xi32, #tpu.memory_space<hbm>>, %arg4: memref<320000xi32, #tpu.memory_space<hbm>>, %arg5: memref<10000xf32, #tpu.memory_space<hbm>>, %arg6: memref<10240xi32, #tpu.memory_space<hbm>>, %arg7: memref<320000xf32, #tpu.memory_space<hbm>>, %arg8: memref<640xi32, #tpu.memory_space<vmem>>, %arg9: memref<640xi32, #tpu.memory_space<vmem>>, %arg10: memref<10000xi32, #tpu.memory_space<vmem>>, %arg11: memref<10000xi32, #tpu.memory_space<vmem>>, %arg12: memref<10000xf32, #tpu.memory_space<vmem>>, %arg13: memref<10000xf32, #tpu.memory_space<vmem>>, %arg14: memref<10240xi32, #tpu.memory_space<vmem>>, %arg15: memref<10240xi32, #tpu.memory_space<vmem_shared>>) attributes {dimension_semantics = [#tpu.dimension_semantics<core_parallel>, #tpu.dimension_semantics<subcore_parallel>], iteration_bounds = array<i64: 2, 16>, scalar_prefetch = 0 : i64, scratch_operands = 8 : i64, tpu.core_type = #tpu.core_type<sc_vector_subcore>, window_params = [{transform_indices = #map}, {transform_indices = #map}, {transform_indices = #map}, {transform_indices = #map}, {transform_indices = #map}, {transform_indices = #map}]} {
    %mul3A = arith.constant 2 : i32
    %mul3A_0 = arith.muli %arg1, %mul3A : i32
    %add3A = arith.addi %mul3A_0, %arg0 : i32
    %iota3A = tpu.iota {dimensions = array<i32: 0>} : vector<16xi32>
    %mul3A_1 = arith.constant 10000 : i32
    %mul3A_2 = arith.muli %add3A, %mul3A_1 : i32
    "tpu.region"() ({
      %run_scoped3A = tpu.sem_alloc : memref<!tpu.dma_semaphore, #tpu.memory_space<semaphore_mem>>
      %dma_start3A = tpu.memref_slice %arg3[%mul3A_2] : memref<320000xi32, #tpu.memory_space<hbm>> -> memref<10000xi32, #tpu.memory_space<hbm>>
      %dma_start3A_11 = tpu.memref_slice %arg3[%mul3A_2] : memref<320000xi32, #tpu.memory_space<hbm>> -> memref<10000xi32, #tpu.memory_space<hbm>>
      tpu.enqueue_dma source(%dma_start3A_11 : memref<10000xi32, #tpu.memory_space<hbm>>) target(%arg10 : memref<10000xi32, #tpu.memory_space<vmem>>) target_semaphore(%run_scoped3A : memref<!tpu.dma_semaphore, #tpu.memory_space<semaphore_mem>>)
      %dma_wait3A = tpu.memref_slice %arg3[%mul3A_2] : memref<320000xi32, #tpu.memory_space<hbm>> -> memref<10000xi32, #tpu.memory_space<hbm>>
      %dma_wait3A_12 = tpu.memref_slice %arg3[%mul3A_2] : memref<320000xi32, #tpu.memory_space<hbm>> -> memref<10000xi32, #tpu.memory_space<hbm>>
      tpu.wait_dma2 semaphore(%run_scoped3A : memref<!tpu.dma_semaphore, #tpu.memory_space<semaphore_mem>>) src(%dma_wait3A_12 : memref<10000xi32, #tpu.memory_space<hbm>>) dst(%arg10 : memref<10000xi32, #tpu.memory_space<vmem>>)
      tpu.yield
    }) : () -> ()
    "tpu.region"() ({
      %run_scoped3A = tpu.sem_alloc : memref<!tpu.dma_semaphore, #tpu.memory_space<semaphore_mem>>
      %dma_start3A = tpu.memref_slice %arg4[%mul3A_2] : memref<320000xi32, #tpu.memory_space<hbm>> -> memref<10000xi32, #tpu.memory_space<hbm>>
      %dma_start3A_11 = tpu.memref_slice %arg4[%mul3A_2] : memref<320000xi32, #tpu.memory_space<hbm>> -> memref<10000xi32, #tpu.memory_space<hbm>>
      tpu.enqueue_dma source(%dma_start3A_11 : memref<10000xi32, #tpu.memory_space<hbm>>) target(%arg11 : memref<10000xi32, #tpu.memory_space<vmem>>) target_semaphore(%run_scoped3A : memref<!tpu.dma_semaphore, #tpu.memory_space<semaphore_mem>>)
      %dma_wait3A = tpu.memref_slice %arg4[%mul3A_2] : memref<320000xi32, #tpu.memory_space<hbm>> -> memref<10000xi32, #tpu.memory_space<hbm>>
      %dma_wait3A_12 = tpu.memref_slice %arg4[%mul3A_2] : memref<320000xi32, #tpu.memory_space<hbm>> -> memref<10000xi32, #tpu.memory_space<hbm>>
      tpu.wait_dma2 semaphore(%run_scoped3A : memref<!tpu.dma_semaphore, #tpu.memory_space<semaphore_mem>>) src(%dma_wait3A_12 : memref<10000xi32, #tpu.memory_space<hbm>>) dst(%arg11 : memref<10000xi32, #tpu.memory_space<vmem>>)
      tpu.yield
    }) : () -> ()
    "tpu.region"() ({
      %run_scoped3A = tpu.sem_alloc : memref<!tpu.dma_semaphore, #tpu.memory_space<semaphore_mem>>
      tpu.enqueue_dma source(%arg5 : memref<10000xf32, #tpu.memory_space<hbm>>) target(%arg12 : memref<10000xf32, #tpu.memory_space<vmem>>) target_semaphore(%run_scoped3A : memref<!tpu.dma_semaphore, #tpu.memory_space<semaphore_mem>>)
      tpu.wait_dma2 semaphore(%run_scoped3A : memref<!tpu.dma_semaphore, #tpu.memory_space<semaphore_mem>>) src(%arg5 : memref<10000xf32, #tpu.memory_space<hbm>>) dst(%arg12 : memref<10000xf32, #tpu.memory_space<vmem>>)
      tpu.yield
    }) : () -> ()
    %scan3A = arith.constant 0 : i32
    %scan3A_3 = arith.constant 0 : i32
    %scan3A_4 = arith.constant 625 : i32
    %scan3A_5 = arith.addi %scan3A_3, %scan3A_4 : i32
    %scan3A_6 = arith.constant 1 : i32
    %scan3A_7 = scf.for %scan3A_11 = %scan3A_3 to %scan3A_5 step %scan3A_6 iter_args(%scan3A_12 = %scan3A) -> (i32)  : i32 {
      %mul3A_13 = arith.constant 16 : i32
      %mul3A_14 = arith.muli %scan3A_11, %mul3A_13 : i32
      %get3A = arith.index_cast %mul3A_14 : i32 to index
      %get3A_15 = tpu.vector_load %arg10[%get3A] {strides = array<i32>} : memref<10000xi32, #tpu.memory_space<vmem>>, vector<16xi32>,
      %mul3A_16 = arith.constant 16 : i32
      %mul3A_17 = arith.muli %scan3A_11, %mul3A_16 : i32
      %get3A_18 = arith.index_cast %mul3A_17 : i32 to index
      %get3A_19 = tpu.vector_load %arg11[%get3A_18] {strides = array<i32>} : memref<10000xi32, #tpu.memory_space<vmem>>, vector<16xi32>,
      %gather3A = tpu.vector_load_idx %arg12[%get3A_15] : memref<10000xf32, #tpu.memory_space<vmem>>[vector<16xi32>], vector<16xf32>,
      %gather3A_20 = tpu.vector_load_idx %arg12[%get3A_19] : memref<10000xf32, #tpu.memory_space<vmem>>[vector<16xi32>], vector<16xf32>,
      %add3A_21 = arith.addf %gather3A, %gather3A_20 : vector<16xf32>
      %eq3A_22 = arith.constant 2.000000e+00 : f32
      %eq3A_23 = vector.broadcast %eq3A_22 : f32 to vector<16xf32>
      %eq3A_24 = arith.cmpf oeq, %add3A_21, %eq3A_23 : vector<16xf32>
      %broadcast_in_dim3A = arith.constant 1.000000e+00 : f32
      %broadcast_in_dim3A_25 = vector.broadcast %broadcast_in_dim3A : f32 to vector<16xf32>
      %broadcast_in_dim3A_26 = arith.constant 0.000000e+00 : f32
      %broadcast_in_dim3A_27 = vector.broadcast %broadcast_in_dim3A_26 : f32 to vector<16xf32>
      %select_n3A = arith.select %eq3A_24, %broadcast_in_dim3A_25, %broadcast_in_dim3A_27 : vector<16xi1>, vector<16xf32>
      %mul3A_28 = arith.constant 16 : i32
      %mul3A_29 = arith.muli %scan3A_11, %mul3A_28 : i32
      %swap3A = arith.index_cast %mul3A_29 : i32 to index
      %swap3A_30 = tpu.vector_load %arg13[%swap3A] {strides = array<i32>} : memref<10000xf32, #tpu.memory_space<vmem>>, vector<16xf32>,
      tpu.vector_store %arg13[%swap3A], %select_n3A {strides = array<i32>} : memref<10000xf32, #tpu.memory_space<vmem>>, vector<16xf32>,
      %scan3A_31 = arith.constant 0 : i32
      scf.yield %scan3A_31 : i32
    }
    %scan3A_8 = arith.constant 625 : i32
    "tpu.region"() ({
      %run_scoped3A = tpu.sem_alloc : memref<!tpu.dma_semaphore, #tpu.memory_space<semaphore_mem>>
      %dma_start3A = tpu.memref_slice %arg7[%mul3A_2] : memref<320000xf32, #tpu.memory_space<hbm>> -> memref<10000xf32, #tpu.memory_space<hbm>>
      %dma_start3A_11 = tpu.memref_slice %arg7[%mul3A_2] : memref<320000xf32, #tpu.memory_space<hbm>> -> memref<10000xf32, #tpu.memory_space<hbm>>
      tpu.enqueue_dma source(%arg13 : memref<10000xf32, #tpu.memory_space<vmem>>) target(%dma_start3A_11 : memref<10000xf32, #tpu.memory_space<hbm>>) target_semaphore(%run_scoped3A : memref<!tpu.dma_semaphore, #tpu.memory_space<semaphore_mem>>)
      %dma_wait3A = tpu.memref_slice %arg7[%mul3A_2] : memref<320000xf32, #tpu.memory_space<hbm>> -> memref<10000xf32, #tpu.memory_space<hbm>>
      %dma_wait3A_12 = tpu.memref_slice %arg7[%mul3A_2] : memref<320000xf32, #tpu.memory_space<hbm>> -> memref<10000xf32, #tpu.memory_space<hbm>>
      tpu.wait_dma2 semaphore(%run_scoped3A : memref<!tpu.dma_semaphore, #tpu.memory_space<semaphore_mem>>) src(%arg13 : memref<10000xf32, #tpu.memory_space<vmem>>) dst(%dma_wait3A_12 : memref<10000xf32, #tpu.memory_space<hbm>>)
      tpu.yield
    }) : () -> ()
    %eq3A = arith.constant 0 : i32
    %eq3A_9 = arith.cmpi eq, %arg0, %eq3A : i32
    %convert_element_type3A = arith.extui %eq3A_9 : i1 to i32
    %cond3A = arith.constant 0 : i32
    %cond3A_10 = arith.cmpi ne, %convert_element_type3A, %cond3A : i32
    scf.if %cond3A_10 {
      %mul3A_11 = arith.constant 640 : i32
      %mul3A_12 = arith.muli %arg1, %mul3A_11 : i32
      "tpu.region"() ({
        %run_scoped3A = tpu.sem_alloc : memref<!tpu.dma_semaphore, #tpu.memory_space<semaphore_mem>>
        %dma_start3A = tpu.memref_slice %arg2[%mul3A_12] : memref<10240xi32, #tpu.memory_space<hbm>> -> memref<640xi32, #tpu.memory_space<hbm>>
        %dma_start3A_25 = tpu.memref_slice %arg2[%mul3A_12] : memref<10240xi32, #tpu.memory_space<hbm>> -> memref<640xi32, #tpu.memory_space<hbm>>
        tpu.enqueue_dma source(%dma_start3A_25 : memref<640xi32, #tpu.memory_space<hbm>>) target(%arg8 : memref<640xi32, #tpu.memory_space<vmem>>) target_semaphore(%run_scoped3A : memref<!tpu.dma_semaphore, #tpu.memory_space<semaphore_mem>>)
        %dma_wait3A = tpu.memref_slice %arg2[%mul3A_12] : memref<10240xi32, #tpu.memory_space<hbm>> -> memref<640xi32, #tpu.memory_space<hbm>>
        %dma_wait3A_26 = tpu.memref_slice %arg2[%mul3A_12] : memref<10240xi32, #tpu.memory_space<hbm>> -> memref<640xi32, #tpu.memory_space<hbm>>
        tpu.wait_dma2 semaphore(%run_scoped3A : memref<!tpu.dma_semaphore, #tpu.memory_space<semaphore_mem>>) src(%dma_wait3A_26 : memref<640xi32, #tpu.memory_space<hbm>>) dst(%arg8 : memref<640xi32, #tpu.memory_space<vmem>>)
        tpu.yield
      }) : () -> ()
      %scan3A_13 = arith.constant 0 : i32
      %scan3A_14 = arith.constant 0 : i32
      %scan3A_15 = arith.constant 40 : i32
      %scan3A_16 = arith.addi %scan3A_14, %scan3A_15 : i32
      %scan3A_17 = arith.constant 1 : i32
      %scan3A_18 = scf.for %scan3A_25 = %scan3A_14 to %scan3A_16 step %scan3A_17 iter_args(%scan3A_26 = %scan3A_13) -> (i32)  : i32 {
        %mul3A_27 = arith.constant 16 : i32
        %mul3A_28 = arith.muli %scan3A_25, %mul3A_27 : i32
        %add3A_29 = arith.addi %mul3A_12, %mul3A_28 : i32
        %add3A_30 = vector.broadcast %add3A_29 : i32 to vector<16xi32>
        %add3A_31 = arith.addi %iota3A, %add3A_30 : vector<16xi32>
        %mul3A_32 = arith.constant 16 : i32
        %mul3A_33 = arith.muli %scan3A_25, %mul3A_32 : i32
        %swap3A = arith.index_cast %mul3A_33 : i32 to index
        %swap3A_34 = tpu.vector_load %arg9[%swap3A] {strides = array<i32>} : memref<640xi32, #tpu.memory_space<vmem>>, vector<16xi32>,
        tpu.vector_store %arg9[%swap3A], %add3A_31 {strides = array<i32>} : memref<640xi32, #tpu.memory_space<vmem>>, vector<16xi32>,
        %scan3A_35 = arith.constant 0 : i32
        scf.yield %scan3A_35 : i32
      }
      %scan3A_19 = arith.constant 40 : i32
      "tpu.region"() ({
        %run_scoped3A = tpu.sem_alloc : memref<!tpu.dma_semaphore, #tpu.memory_space<semaphore_mem>>
        %dma_start3A = arith.constant 0 : i32
        %dma_start3A_25 = tpu.memref_slice %arg15[%dma_start3A] : memref<10240xi32, #tpu.memory_space<vmem_shared>> -> memref<10240xi32, #tpu.memory_space<vmem_shared>>
        tpu.enqueue_indirect_dma source(%arg9 : memref<640xi32, #tpu.memory_space<vmem>>) target(%dma_start3A_25 : memref<10240xi32, #tpu.memory_space<vmem_shared>>) offsets(%arg8 : memref<640xi32, #tpu.memory_space<vmem>>) semaphore(%run_scoped3A : memref<!tpu.dma_semaphore, #tpu.memory_space<semaphore_mem>>)
        %dma_wait3A = arith.constant 0 : i32
        %dma_wait3A_26 = tpu.memref_slice %arg15[%dma_wait3A] : memref<10240xi32, #tpu.memory_space<vmem_shared>> -> memref<10240xi32, #tpu.memory_space<vmem_shared>>
        tpu.wait_indirect_dma semaphore(%run_scoped3A : memref<!tpu.dma_semaphore, #tpu.memory_space<semaphore_mem>>) src(%arg9 : memref<640xi32, #tpu.memory_space<vmem>>) dst(%dma_wait3A_26 : memref<10240xi32, #tpu.memory_space<vmem_shared>>)
        tpu.yield
      }) : () -> ()
      %barrier3A = arith.constant 0 : index
      tpu.barrier barrier_id(%barrier3A)
      %eq3A_20 = arith.constant 0 : i32
      %eq3A_21 = arith.cmpi eq, %arg1, %eq3A_20 : i32
      %convert_element_type3A_22 = arith.extui %eq3A_21 : i1 to i32
      %cond3A_23 = arith.constant 0 : i32
      %cond3A_24 = arith.cmpi ne, %convert_element_type3A_22, %cond3A_23 : i32
      scf.if %cond3A_24 {
        "tpu.region"() ({
          %run_scoped3A = tpu.sem_alloc : memref<!tpu.dma_semaphore, #tpu.memory_space<semaphore_mem>>
          tpu.enqueue_dma source(%arg15 : memref<10240xi32, #tpu.memory_space<vmem_shared>>) target(%arg14 : memref<10240xi32, #tpu.memory_space<vmem>>) target_semaphore(%run_scoped3A : memref<!tpu.dma_semaphore, #tpu.memory_space<semaphore_mem>>)
          tpu.wait_dma2 semaphore(%run_scoped3A : memref<!tpu.dma_semaphore, #tpu.memory_space<semaphore_mem>>) src(%arg15 : memref<10240xi32, #tpu.memory_space<vmem_shared>>) dst(%arg14 : memref<10240xi32, #tpu.memory_space<vmem>>)
          tpu.yield
        }) : () -> ()
        "tpu.region"() ({
          %run_scoped3A = tpu.sem_alloc : memref<!tpu.dma_semaphore, #tpu.memory_space<semaphore_mem>>
          tpu.enqueue_dma source(%arg14 : memref<10240xi32, #tpu.memory_space<vmem>>) target(%arg6 : memref<10240xi32, #tpu.memory_space<hbm>>) target_semaphore(%run_scoped3A : memref<!tpu.dma_semaphore, #tpu.memory_space<semaphore_mem>>)
          tpu.wait_dma2 semaphore(%run_scoped3A : memref<!tpu.dma_semaphore, #tpu.memory_space<semaphore_mem>>) src(%arg14 : memref<10240xi32, #tpu.memory_space<vmem>>) dst(%arg6 : memref<10240xi32, #tpu.memory_space<hbm>>)
          tpu.yield
        }) : () -> ()
      } else {
      }
    } else {
    }
    return
  }
}

#map = affine_map<(d0, d1) -> (0)>
module attributes {stable_mosaic.version = 14 : i64} {
  func.func @seg_kernel(%arg0: i32, %arg1: i32, %arg2: memref<330000xi32, #tpu.memory_space<hbm>>, %arg3: memref<330000xf32, #tpu.memory_space<hbm>>, %arg4: memref<10000xf32, #tpu.memory_space<hbm>>, %arg5: memref<24000xi32, #tpu.memory_space<vmem>>, %arg6: memref<24000xf32, #tpu.memory_space<vmem>>, %arg7: memref<10240xf32, #tpu.memory_space<vmem>>, %arg8: memref<10240xf32, #tpu.memory_space<vmem>>, %arg9: memref<10240xi32, #tpu.memory_space<vmem>>, %arg10: memref<10240xf32, #tpu.memory_space<vmem_shared>>) attributes {dimension_semantics = [#tpu.dimension_semantics<core_parallel>, #tpu.dimension_semantics<subcore_parallel>], iteration_bounds = array<i64: 2, 16>, scalar_prefetch = 0 : i64, scratch_operands = 6 : i64, tpu.core_type = #tpu.core_type<sc_vector_subcore>, window_params = [{transform_indices = #map}, {transform_indices = #map}, {transform_indices = #map}]} {
    %iota3A = tpu.iota {dimensions = array<i32: 0>} : vector<16xi32>
    %broadcast_in_dim3A = arith.constant 0.000000e+00 : f32
    %broadcast_in_dim3A_0 = vector.broadcast %broadcast_in_dim3A : f32 to vector<16xf32>
    %eq3A = arith.constant 0 : i32
    %eq3A_1 = arith.cmpi eq, %arg0, %eq3A : i32
    %convert_element_type3A = arith.extui %eq3A_1 : i1 to i32
    %cond3A = arith.constant 0 : i32
    %cond3A_2 = arith.cmpi ne, %convert_element_type3A, %cond3A : i32
    scf.if %cond3A_2 {
      %eq3A_3 = arith.constant 0 : i32
      %eq3A_4 = arith.cmpi eq, %arg1, %eq3A_3 : i32
      %convert_element_type3A_5 = arith.extui %eq3A_4 : i1 to i32
      %cond3A_6 = arith.constant 0 : i32
      %cond3A_7 = arith.cmpi ne, %convert_element_type3A_5, %cond3A_6 : i32
      scf.if %cond3A_7 {
        %broadcast_in_dim3A_86 = arith.constant 0.000000e+00 : f32
        %broadcast_in_dim3A_87 = vector.broadcast %broadcast_in_dim3A_86 : f32 to vector<16xf32>
        %scan3A_88 = arith.constant 0 : i32
        %scan3A_89 = arith.constant 0 : i32
        %scan3A_90 = arith.constant 640 : i32
        %scan3A_91 = arith.addi %scan3A_89, %scan3A_90 : i32
        %scan3A_92 = arith.constant 1 : i32
        %scan3A_93 = scf.for %scan3A_95 = %scan3A_89 to %scan3A_91 step %scan3A_92 iter_args(%scan3A_96 = %scan3A_88) -> (i32)  : i32 {
          %mul3A_97 = arith.constant 16 : i32
          %mul3A_98 = arith.muli %scan3A_95, %mul3A_97 : i32
          %swap3A = arith.index_cast %mul3A_98 : i32 to index
          %swap3A_99 = tpu.vector_load %arg8[%swap3A] {strides = array<i32>} : memref<10240xf32, #tpu.memory_space<vmem>>, vector<16xf32>,
          tpu.vector_store %arg8[%swap3A], %broadcast_in_dim3A_87 {strides = array<i32>} : memref<10240xf32, #tpu.memory_space<vmem>>, vector<16xf32>,
          %scan3A_100 = arith.constant 0 : i32
          scf.yield %scan3A_100 : i32
        }
        %scan3A_94 = arith.constant 640 : i32
        "tpu.region"() ({
          %run_scoped3A = tpu.sem_alloc : memref<!tpu.dma_semaphore, #tpu.memory_space<semaphore_mem>>
          tpu.enqueue_dma source(%arg8 : memref<10240xf32, #tpu.memory_space<vmem>>) target(%arg10 : memref<10240xf32, #tpu.memory_space<vmem_shared>>) target_semaphore(%run_scoped3A : memref<!tpu.dma_semaphore, #tpu.memory_space<semaphore_mem>>)
          tpu.wait_dma2 semaphore(%run_scoped3A : memref<!tpu.dma_semaphore, #tpu.memory_space<semaphore_mem>>) src(%arg8 : memref<10240xf32, #tpu.memory_space<vmem>>) dst(%arg10 : memref<10240xf32, #tpu.memory_space<vmem_shared>>)
          tpu.yield
        }) : () -> ()
      } else {
      }
      %barrier3A = arith.constant 0 : index
      tpu.barrier barrier_id(%barrier3A)
      %mul3A = arith.constant 3 : i32
      %mul3A_8 = arith.muli %arg1, %mul3A : i32
      %min3A = arith.constant 7 : i32
      %min3A_9 = arith.minsi %arg1, %min3A : i32
      %add3A = arith.addi %mul3A_8, %min3A_9 : i32
      %lt3A = arith.constant 7 : i32
      %lt3A_10 = arith.cmpi slt, %arg1, %lt3A : i32
      %jit3A = arith.constant 1 : i32
      %jit3A_11 = arith.constant 0 : i32
      %select_n3A = arith.select %lt3A_10, %jit3A, %jit3A_11 : i32
      %add3A_12 = arith.constant 3 : i32
      %add3A_13 = arith.addi %add3A_12, %select_n3A : i32
      %mul3A_14 = arith.constant 6000 : i32
      %mul3A_15 = arith.muli %add3A, %mul3A_14 : i32
      %mul3A_16 = arith.constant 6000 : i32
      %mul3A_17 = arith.muli %add3A_13, %mul3A_16 : i32
      %add3A_18 = arith.addi %mul3A_15, %mul3A_17 : i32
      %min3A_19 = arith.constant 330000 : i32
      %min3A_20 = arith.minsi %add3A_18, %min3A_19 : i32
      %sub3A = arith.subi %min3A_20, %mul3A_15 : i32
      "tpu.region"() ({
        %run_scoped3A = tpu.sem_alloc : memref<!tpu.dma_semaphore, #tpu.memory_space<semaphore_mem>>
        %dma_start3A = arith.constant 0 : i32
        %dma_start3A_86 = tpu.memref_slice %arg5[%dma_start3A] : memref<24000xi32, #tpu.memory_space<vmem>> -> memref<18000xi32, #tpu.memory_space<vmem>>
        %dma_start3A_87 = tpu.memref_slice %arg2[%mul3A_15] : memref<330000xi32, #tpu.memory_space<hbm>> -> memref<18000xi32, #tpu.memory_space<hbm>>
        %dma_start3A_88 = arith.constant 0 : i32
        %dma_start3A_89 = tpu.memref_slice %arg5[%dma_start3A_88] : memref<24000xi32, #tpu.memory_space<vmem>> -> memref<18000xi32, #tpu.memory_space<vmem>>
        %dma_start3A_90 = tpu.memref_slice %arg2[%mul3A_15] : memref<330000xi32, #tpu.memory_space<hbm>> -> memref<18000xi32, #tpu.memory_space<hbm>>
        tpu.enqueue_dma source(%dma_start3A_90 : memref<18000xi32, #tpu.memory_space<hbm>>) target(%dma_start3A_89 : memref<18000xi32, #tpu.memory_space<vmem>>) target_semaphore(%run_scoped3A : memref<!tpu.dma_semaphore, #tpu.memory_space<semaphore_mem>>)
        %dma_wait3A = arith.constant 0 : i32
        %dma_wait3A_91 = tpu.memref_slice %arg5[%dma_wait3A] : memref<24000xi32, #tpu.memory_space<vmem>> -> memref<18000xi32, #tpu.memory_space<vmem>>
        %dma_wait3A_92 = tpu.memref_slice %arg2[%mul3A_15] : memref<330000xi32, #tpu.memory_space<hbm>> -> memref<18000xi32, #tpu.memory_space<hbm>>
        %dma_wait3A_93 = arith.constant 0 : i32
        %dma_wait3A_94 = tpu.memref_slice %arg5[%dma_wait3A_93] : memref<24000xi32, #tpu.memory_space<vmem>> -> memref<18000xi32, #tpu.memory_space<vmem>>
        %dma_wait3A_95 = tpu.memref_slice %arg2[%mul3A_15] : memref<330000xi32, #tpu.memory_space<hbm>> -> memref<18000xi32, #tpu.memory_space<hbm>>
        tpu.wait_dma2 semaphore(%run_scoped3A : memref<!tpu.dma_semaphore, #tpu.memory_space<semaphore_mem>>) src(%dma_wait3A_95 : memref<18000xi32, #tpu.memory_space<hbm>>) dst(%dma_wait3A_94 : memref<18000xi32, #tpu.memory_space<vmem>>)
        tpu.yield
      }) : () -> ()
      "tpu.region"() ({
        %run_scoped3A = tpu.sem_alloc : memref<!tpu.dma_semaphore, #tpu.memory_space<semaphore_mem>>
        %dma_start3A = arith.constant 0 : i32
        %dma_start3A_86 = tpu.memref_slice %arg6[%dma_start3A] : memref<24000xf32, #tpu.memory_space<vmem>> -> memref<18000xf32, #tpu.memory_space<vmem>>
        %dma_start3A_87 = tpu.memref_slice %arg3[%mul3A_15] : memref<330000xf32, #tpu.memory_space<hbm>> -> memref<18000xf32, #tpu.memory_space<hbm>>
        %dma_start3A_88 = arith.constant 0 : i32
        %dma_start3A_89 = tpu.memref_slice %arg6[%dma_start3A_88] : memref<24000xf32, #tpu.memory_space<vmem>> -> memref<18000xf32, #tpu.memory_space<vmem>>
        %dma_start3A_90 = tpu.memref_slice %arg3[%mul3A_15] : memref<330000xf32, #tpu.memory_space<hbm>> -> memref<18000xf32, #tpu.memory_space<hbm>>
        tpu.enqueue_dma source(%dma_start3A_90 : memref<18000xf32, #tpu.memory_space<hbm>>) target(%dma_start3A_89 : memref<18000xf32, #tpu.memory_space<vmem>>) target_semaphore(%run_scoped3A : memref<!tpu.dma_semaphore, #tpu.memory_space<semaphore_mem>>)
        %dma_wait3A = arith.constant 0 : i32
        %dma_wait3A_91 = tpu.memref_slice %arg6[%dma_wait3A] : memref<24000xf32, #tpu.memory_space<vmem>> -> memref<18000xf32, #tpu.memory_space<vmem>>
        %dma_wait3A_92 = tpu.memref_slice %arg3[%mul3A_15] : memref<330000xf32, #tpu.memory_space<hbm>> -> memref<18000xf32, #tpu.memory_space<hbm>>
        %dma_wait3A_93 = arith.constant 0 : i32
        %dma_wait3A_94 = tpu.memref_slice %arg6[%dma_wait3A_93] : memref<24000xf32, #tpu.memory_space<vmem>> -> memref<18000xf32, #tpu.memory_space<vmem>>
        %dma_wait3A_95 = tpu.memref_slice %arg3[%mul3A_15] : memref<330000xf32, #tpu.memory_space<hbm>> -> memref<18000xf32, #tpu.memory_space<hbm>>
        tpu.wait_dma2 semaphore(%run_scoped3A : memref<!tpu.dma_semaphore, #tpu.memory_space<semaphore_mem>>) src(%dma_wait3A_95 : memref<18000xf32, #tpu.memory_space<hbm>>) dst(%dma_wait3A_94 : memref<18000xf32, #tpu.memory_space<vmem>>)
        tpu.yield
      }) : () -> ()
      %lt3A_21 = arith.constant 7 : i32
      %lt3A_22 = arith.cmpi slt, %arg1, %lt3A_21 : i32
      %convert_element_type3A_23 = arith.extui %lt3A_22 : i1 to i32
      %cond3A_24 = arith.constant 0 : i32
      %cond3A_25 = arith.cmpi ne, %convert_element_type3A_23, %cond3A_24 : i32
      scf.if %cond3A_25 {
        %add3A_86 = arith.constant 18000 : i32
        %add3A_87 = arith.addi %mul3A_15, %add3A_86 : i32
        %min3A_88 = arith.constant 324000 : i32
        %min3A_89 = arith.minsi %add3A_87, %min3A_88 : i32
        "tpu.region"() ({
          %run_scoped3A = tpu.sem_alloc : memref<!tpu.dma_semaphore, #tpu.memory_space<semaphore_mem>>
          %dma_start3A = arith.constant 18000 : i32
          %dma_start3A_90 = tpu.memref_slice %arg5[%dma_start3A] : memref<24000xi32, #tpu.memory_space<vmem>> -> memref<6000xi32, #tpu.memory_space<vmem>>
          %dma_start3A_91 = tpu.memref_slice %arg2[%min3A_89] : memref<330000xi32, #tpu.memory_space<hbm>> -> memref<6000xi32, #tpu.memory_space<hbm>>
          %dma_start3A_92 = arith.constant 18000 : i32
          %dma_start3A_93 = tpu.memref_slice %arg5[%dma_start3A_92] : memref<24000xi32, #tpu.memory_space<vmem>> -> memref<6000xi32, #tpu.memory_space<vmem>>
          %dma_start3A_94 = tpu.memref_slice %arg2[%min3A_89] : memref<330000xi32, #tpu.memory_space<hbm>> -> memref<6000xi32, #tpu.memory_space<hbm>>
          tpu.enqueue_dma source(%dma_start3A_94 : memref<6000xi32, #tpu.memory_space<hbm>>) target(%dma_start3A_93 : memref<6000xi32, #tpu.memory_space<vmem>>) target_semaphore(%run_scoped3A : memref<!tpu.dma_semaphore, #tpu.memory_space<semaphore_mem>>)
          %dma_wait3A = arith.constant 18000 : i32
          %dma_wait3A_95 = tpu.memref_slice %arg5[%dma_wait3A] : memref<24000xi32, #tpu.memory_space<vmem>> -> memref<6000xi32, #tpu.memory_space<vmem>>
          %dma_wait3A_96 = tpu.memref_slice %arg2[%min3A_89] : memref<330000xi32, #tpu.memory_space<hbm>> -> memref<6000xi32, #tpu.memory_space<hbm>>
          %dma_wait3A_97 = arith.constant 18000 : i32
          %dma_wait3A_98 = tpu.memref_slice %arg5[%dma_wait3A_97] : memref<24000xi32, #tpu.memory_space<vmem>> -> memref<6000xi32, #tpu.memory_space<vmem>>
          %dma_wait3A_99 = tpu.memref_slice %arg2[%min3A_89] : memref<330000xi32, #tpu.memory_space<hbm>> -> memref<6000xi32, #tpu.memory_space<hbm>>
          tpu.wait_dma2 semaphore(%run_scoped3A : memref<!tpu.dma_semaphore, #tpu.memory_space<semaphore_mem>>) src(%dma_wait3A_99 : memref<6000xi32, #tpu.memory_space<hbm>>) dst(%dma_wait3A_98 : memref<6000xi32, #tpu.memory_space<vmem>>)
          tpu.yield
        }) : () -> ()
        "tpu.region"() ({
          %run_scoped3A = tpu.sem_alloc : memref<!tpu.dma_semaphore, #tpu.memory_space<semaphore_mem>>
          %dma_start3A = arith.constant 18000 : i32
          %dma_start3A_90 = tpu.memref_slice %arg6[%dma_start3A] : memref<24000xf32, #tpu.memory_space<vmem>> -> memref<6000xf32, #tpu.memory_space<vmem>>
          %dma_start3A_91 = tpu.memref_slice %arg3[%min3A_89] : memref<330000xf32, #tpu.memory_space<hbm>> -> memref<6000xf32, #tpu.memory_space<hbm>>
          %dma_start3A_92 = arith.constant 18000 : i32
          %dma_start3A_93 = tpu.memref_slice %arg6[%dma_start3A_92] : memref<24000xf32, #tpu.memory_space<vmem>> -> memref<6000xf32, #tpu.memory_space<vmem>>
          %dma_start3A_94 = tpu.memref_slice %arg3[%min3A_89] : memref<330000xf32, #tpu.memory_space<hbm>> -> memref<6000xf32, #tpu.memory_space<hbm>>
          tpu.enqueue_dma source(%dma_start3A_94 : memref<6000xf32, #tpu.memory_space<hbm>>) target(%dma_start3A_93 : memref<6000xf32, #tpu.memory_space<vmem>>) target_semaphore(%run_scoped3A : memref<!tpu.dma_semaphore, #tpu.memory_space<semaphore_mem>>)
          %dma_wait3A = arith.constant 18000 : i32
          %dma_wait3A_95 = tpu.memref_slice %arg6[%dma_wait3A] : memref<24000xf32, #tpu.memory_space<vmem>> -> memref<6000xf32, #tpu.memory_space<vmem>>
          %dma_wait3A_96 = tpu.memref_slice %arg3[%min3A_89] : memref<330000xf32, #tpu.memory_space<hbm>> -> memref<6000xf32, #tpu.memory_space<hbm>>
          %dma_wait3A_97 = arith.constant 18000 : i32
          %dma_wait3A_98 = tpu.memref_slice %arg6[%dma_wait3A_97] : memref<24000xf32, #tpu.memory_space<vmem>> -> memref<6000xf32, #tpu.memory_space<vmem>>
          %dma_wait3A_99 = tpu.memref_slice %arg3[%min3A_89] : memref<330000xf32, #tpu.memory_space<hbm>> -> memref<6000xf32, #tpu.memory_space<hbm>>
          tpu.wait_dma2 semaphore(%run_scoped3A : memref<!tpu.dma_semaphore, #tpu.memory_space<semaphore_mem>>) src(%dma_wait3A_99 : memref<6000xf32, #tpu.memory_space<hbm>>) dst(%dma_wait3A_98 : memref<6000xf32, #tpu.memory_space<vmem>>)
          tpu.yield
        }) : () -> ()
      } else {
      }
      %broadcast_in_dim3A_26 = arith.constant 0.000000e+00 : f32
      %broadcast_in_dim3A_27 = vector.broadcast %broadcast_in_dim3A_26 : f32 to vector<16xf32>
      %scan3A = arith.constant 0 : i32
      %scan3A_28 = arith.constant 0 : i32
      %scan3A_29 = arith.constant 640 : i32
      %scan3A_30 = arith.addi %scan3A_28, %scan3A_29 : i32
      %scan3A_31 = arith.constant 1 : i32
      %scan3A_32 = scf.for %scan3A_86 = %scan3A_28 to %scan3A_30 step %scan3A_31 iter_args(%scan3A_87 = %scan3A) -> (i32)  : i32 {
        %mul3A_88 = arith.constant 16 : i32
        %mul3A_89 = arith.muli %scan3A_86, %mul3A_88 : i32
        %swap3A = arith.index_cast %mul3A_89 : i32 to index
        %swap3A_90 = tpu.vector_load %arg7[%swap3A] {strides = array<i32>} : memref<10240xf32, #tpu.memory_space<vmem>>, vector<16xf32>,
        tpu.vector_store %arg7[%swap3A], %broadcast_in_dim3A_27 {strides = array<i32>} : memref<10240xf32, #tpu.memory_space<vmem>>, vector<16xf32>,
        %scan3A_91 = arith.constant 0 : i32
        scf.yield %scan3A_91 : i32
      }
      %scan3A_33 = arith.constant 640 : i32
      %jit3A_34 = arith.constant 16 : i32
      %div3A = arith.divsi %sub3A, %jit3A_34 : i32
      %sign3A = arith.constant 0 : i32
      %sign3A_35 = arith.cmpi sgt, %sub3A, %sign3A : i32
      %sign3A_36 = arith.extui %sign3A_35 : i1 to i32
      %sign3A_37 = arith.constant 0 : i32
      %sign3A_38 = arith.cmpi slt, %sub3A, %sign3A_37 : i32
      %sign3A_39 = arith.extui %sign3A_38 : i1 to i32
      %sign3A_40 = arith.subi %sign3A_36, %sign3A_39 : i32
      %sign3A_41 = arith.constant 0 : i32
      %sign3A_42 = arith.cmpi sgt, %jit3A_34, %sign3A_41 : i32
      %sign3A_43 = arith.extui %sign3A_42 : i1 to i32
      %sign3A_44 = arith.constant 0 : i32
      %sign3A_45 = arith.cmpi slt, %jit3A_34, %sign3A_44 : i32
      %sign3A_46 = arith.extui %sign3A_45 : i1 to i32
      %sign3A_47 = arith.subi %sign3A_43, %sign3A_46 : i32
      %ne3A = arith.cmpi ne, %sign3A_40, %sign3A_47 : i32
      %rem3A = arith.remsi %sub3A, %jit3A_34 : i32
      %ne3A_48 = arith.constant 0 : i32
      %ne3A_49 = arith.cmpi ne, %rem3A, %ne3A_48 : i32
      %and3A = arith.andi %ne3A, %ne3A_49 : i1
      %sub3A_50 = arith.constant 1 : i32
      %sub3A_51 = arith.subi %div3A, %sub3A_50 : i32
      %select_n3A_52 = arith.select %and3A, %sub3A_51, %div3A : i32
      %while3A = arith.constant 0 : i32
      %while3A_53 = arith.subi %select_n3A_52, %while3A : i32
      %while3A_54 = arith.addi %while3A, %while3A_53 : i32
      %while3A_55 = arith.constant 1 : i32
      %while3A_56 = arith.divsi %while3A_53, %while3A_55 : i32
      %while3A_57 = arith.muli %while3A_56, %while3A_55 : i32
      %while3A_58 = arith.addi %while3A, %while3A_57 : i32
      %while3A_59 = arith.constant 1 : i32
      %while3A_60 = scf.for %while3A_86 = %while3A to %while3A_58 step %while3A_59 iter_args(%while3A_87 = %broadcast_in_dim3A_0) -> (vector<16xf32>)  : i32 {
        %mul3A_88 = arith.constant 16 : i32
        %mul3A_89 = arith.muli %while3A_86, %mul3A_88 : i32
        %get3A = arith.index_cast %mul3A_89 : i32 to index
        %get3A_90 = tpu.vector_load %arg5[%get3A] {strides = array<i32>} : memref<24000xi32, #tpu.memory_space<vmem>>, vector<16xi32>,
        %get3A_91 = arith.index_cast %mul3A_89 : i32 to index
        %get3A_92 = tpu.vector_load %arg6[%get3A_91] {strides = array<i32>} : memref<24000xf32, #tpu.memory_space<vmem>>, vector<16xf32>,
        %add3A_93 = vector.broadcast %mul3A_89 : i32 to vector<16xi32>
        %add3A_94 = arith.addi %iota3A, %add3A_93 : vector<16xi32>
        %sub3A_95 = arith.constant 1 : i32
        %sub3A_96 = vector.broadcast %sub3A_95 : i32 to vector<16xi32>
        %sub3A_97 = arith.subi %add3A_94, %sub3A_96 : vector<16xi32>
        %max3A = arith.constant 0 : i32
        %max3A_98 = vector.broadcast %max3A : i32 to vector<16xi32>
        %max3A_99 = arith.maxsi %sub3A_97, %max3A_98 : vector<16xi32>
        %gather3A_100 = tpu.vector_load_idx %arg5[%max3A_99] : memref<24000xi32, #tpu.memory_space<vmem>>[vector<16xi32>], vector<16xi32>,
        %ne3A_101 = arith.cmpi ne, %get3A_90, %gather3A_100 : vector<16xi32>
        %eq3A_102 = arith.constant 0 : i32
        %eq3A_103 = vector.broadcast %eq3A_102 : i32 to vector<16xi32>
        %eq3A_104 = arith.cmpi eq, %iota3A, %eq3A_103 : vector<16xi32>
        %eq3A_105 = arith.constant 0 : i32
        %eq3A_106 = arith.cmpi eq, %while3A_86, %eq3A_105 : i32
        %and3A_107 = vector.broadcast %eq3A_106 : i1 to vector<16xi1>
        %and3A_108 = arith.andi %eq3A_104, %and3A_107 : vector<16xi1>
        %or3A = arith.ori %ne3A_101, %and3A_108 : vector<16xi1>
        %convert_element_type3A_109 = arith.extui %or3A : vector<16xi1> to vector<16xi32>
        %mul3A_110 = arith.constant 0 : i32
        %mul3A_111 = vector.broadcast %mul3A_110 : i32 to vector<16xi32>
        %mul3A_112 = arith.muli %iota3A, %mul3A_111 : vector<16xi32>
        %broadcast_in_dim3A_113 = vector.shape_cast %mul3A_112 : vector<16xi32> to vector<16x1xi32>
        %gather3A_114 = vector.shape_cast %broadcast_in_dim3A_113 : vector<16x1xi32> to vector<16xi32>
        %gather3A_115 = tpu.dynamic_gather %convert_element_type3A_109[%gather3A_114] in [0] : vector<16xi32>, vector<16xi32> -> vector<16xi32>
        %eq3A_116 = arith.constant 0 : i32
        %eq3A_117 = vector.broadcast %eq3A_116 : i32 to vector<16xi32>
        %eq3A_118 = arith.cmpi eq, %iota3A, %eq3A_117 : vector<16xi32>
        %eq3A_119 = arith.constant 1 : i32
        %eq3A_120 = vector.broadcast %eq3A_119 : i32 to vector<16xi32>
        %eq3A_121 = arith.cmpi eq, %gather3A_115, %eq3A_120 : vector<16xi32>
        %and3A_122 = arith.andi %eq3A_118, %eq3A_121 : vector<16xi1>
        %gt3A = arith.constant 0 : i32
        %gt3A_123 = arith.cmpi sgt, %while3A_86, %gt3A : i32
        %and3A_124 = vector.broadcast %gt3A_123 : i1 to vector<16xi1>
        %and3A_125 = arith.andi %and3A_122, %and3A_124 : vector<16xi1>
        tpu.vector_store_idx %arg7[%gather3A_100], %while3A_87 masked %and3A_125 {add = true} : memref<10240xf32, #tpu.memory_space<vmem>>[vector<16xi32>], vector<16xf32>, vector<16xi1>
        %eq3A_126 = arith.constant 0 : i32
        %eq3A_127 = vector.broadcast %eq3A_126 : i32 to vector<16xi32>
        %eq3A_128 = arith.cmpi eq, %iota3A, %eq3A_127 : vector<16xi32>
        %eq3A_129 = arith.constant 0 : i32
        %eq3A_130 = vector.broadcast %eq3A_129 : i32 to vector<16xi32>
        %eq3A_131 = arith.cmpi eq, %gather3A_115, %eq3A_130 : vector<16xi32>
        %and3A_132 = arith.andi %eq3A_128, %eq3A_131 : vector<16xi1>
        %select_n3A_133 = arith.select %and3A_132, %while3A_87, %broadcast_in_dim3A_0 : vector<16xi1>, vector<16xf32>
        %add3A_134 = arith.addf %get3A_92, %select_n3A_133 : vector<16xf32>
        %sub3A_135 = arith.constant 1 : i32
        %sub3A_136 = vector.broadcast %sub3A_135 : i32 to vector<16xi32>
        %sub3A_137 = arith.subi %iota3A, %sub3A_136 : vector<16xi32>
        %max3A_138 = arith.constant 0 : i32
        %max3A_139 = vector.broadcast %max3A_138 : i32 to vector<16xi32>
        %max3A_140 = arith.maxsi %sub3A_137, %max3A_139 : vector<16xi32>
        %broadcast_in_dim3A_141 = vector.shape_cast %max3A_140 : vector<16xi32> to vector<16x1xi32>
        %gather3A_142 = vector.shape_cast %broadcast_in_dim3A_141 : vector<16x1xi32> to vector<16xi32>
        %gather3A_143 = tpu.dynamic_gather %add3A_134[%gather3A_142] in [0] : vector<16xf32>, vector<16xi32> -> vector<16xf32>
        %broadcast_in_dim3A_144 = vector.shape_cast %max3A_140 : vector<16xi32> to vector<16x1xi32>
        %gather3A_145 = vector.shape_cast %broadcast_in_dim3A_144 : vector<16x1xi32> to vector<16xi32>
        %gather3A_146 = tpu.dynamic_gather %convert_element_type3A_109[%gather3A_145] in [0] : vector<16xi32>, vector<16xi32> -> vector<16xi32>
        %ge3A = arith.constant 1 : i32
        %ge3A_147 = vector.broadcast %ge3A : i32 to vector<16xi32>
        %ge3A_148 = arith.cmpi sge, %iota3A, %ge3A_147 : vector<16xi32>
        %eq3A_149 = arith.constant 0 : i32
        %eq3A_150 = vector.broadcast %eq3A_149 : i32 to vector<16xi32>
        %eq3A_151 = arith.cmpi eq, %convert_element_type3A_109, %eq3A_150 : vector<16xi32>
        %and3A_152 = arith.andi %ge3A_148, %eq3A_151 : vector<16xi1>
        %add3A_153 = arith.addf %add3A_134, %gather3A_143 : vector<16xf32>
        %select_n3A_154 = arith.select %and3A_152, %add3A_153, %add3A_134 : vector<16xi1>, vector<16xf32>
        %select_n3A_155 = arith.select %and3A_152, %gather3A_146, %convert_element_type3A_109 : vector<16xi1>, vector<16xi32>
        %sub3A_156 = arith.constant 2 : i32
        %sub3A_157 = vector.broadcast %sub3A_156 : i32 to vector<16xi32>
        %sub3A_158 = arith.subi %iota3A, %sub3A_157 : vector<16xi32>
        %max3A_159 = arith.constant 0 : i32
        %max3A_160 = vector.broadcast %max3A_159 : i32 to vector<16xi32>
        %max3A_161 = arith.maxsi %sub3A_158, %max3A_160 : vector<16xi32>
        %broadcast_in_dim3A_162 = vector.shape_cast %max3A_161 : vector<16xi32> to vector<16x1xi32>
        %gather3A_163 = vector.shape_cast %broadcast_in_dim3A_162 : vector<16x1xi32> to vector<16xi32>
        %gather3A_164 = tpu.dynamic_gather %select_n3A_154[%gather3A_163] in [0] : vector<16xf32>, vector<16xi32> -> vector<16xf32>
        %broadcast_in_dim3A_165 = vector.shape_cast %max3A_161 : vector<16xi32> to vector<16x1xi32>
        %gather3A_166 = vector.shape_cast %broadcast_in_dim3A_165 : vector<16x1xi32> to vector<16xi32>
        %gather3A_167 = tpu.dynamic_gather %select_n3A_155[%gather3A_166] in [0] : vector<16xi32>, vector<16xi32> -> vector<16xi32>
        %ge3A_168 = arith.constant 2 : i32
        %ge3A_169 = vector.broadcast %ge3A_168 : i32 to vector<16xi32>
        %ge3A_170 = arith.cmpi sge, %iota3A, %ge3A_169 : vector<16xi32>
        %eq3A_171 = arith.constant 0 : i32
        %eq3A_172 = vector.broadcast %eq3A_171 : i32 to vector<16xi32>
        %eq3A_173 = arith.cmpi eq, %select_n3A_155, %eq3A_172 : vector<16xi32>
        %and3A_174 = arith.andi %ge3A_170, %eq3A_173 : vector<16xi1>
        %add3A_175 = arith.addf %select_n3A_154, %gather3A_164 : vector<16xf32>
        %select_n3A_176 = arith.select %and3A_174, %add3A_175, %select_n3A_154 : vector<16xi1>, vector<16xf32>
        %select_n3A_177 = arith.select %and3A_174, %gather3A_167, %select_n3A_155 : vector<16xi1>, vector<16xi32>
        %sub3A_178 = arith.constant 4 : i32
        %sub3A_179 = vector.broadcast %sub3A_178 : i32 to vector<16xi32>
        %sub3A_180 = arith.subi %iota3A, %sub3A_179 : vector<16xi32>
        %max3A_181 = arith.constant 0 : i32
        %max3A_182 = vector.broadcast %max3A_181 : i32 to vector<16xi32>
        %max3A_183 = arith.maxsi %sub3A_180, %max3A_182 : vector<16xi32>
        %broadcast_in_dim3A_184 = vector.shape_cast %max3A_183 : vector<16xi32> to vector<16x1xi32>
        %gather3A_185 = vector.shape_cast %broadcast_in_dim3A_184 : vector<16x1xi32> to vector<16xi32>
        %gather3A_186 = tpu.dynamic_gather %select_n3A_176[%gather3A_185] in [0] : vector<16xf32>, vector<16xi32> -> vector<16xf32>
        %broadcast_in_dim3A_187 = vector.shape_cast %max3A_183 : vector<16xi32> to vector<16x1xi32>
        %gather3A_188 = vector.shape_cast %broadcast_in_dim3A_187 : vector<16x1xi32> to vector<16xi32>
        %gather3A_189 = tpu.dynamic_gather %select_n3A_177[%gather3A_188] in [0] : vector<16xi32>, vector<16xi32> -> vector<16xi32>
        %ge3A_190 = arith.constant 4 : i32
        %ge3A_191 = vector.broadcast %ge3A_190 : i32 to vector<16xi32>
        %ge3A_192 = arith.cmpi sge, %iota3A, %ge3A_191 : vector<16xi32>
        %eq3A_193 = arith.constant 0 : i32
        %eq3A_194 = vector.broadcast %eq3A_193 : i32 to vector<16xi32>
        %eq3A_195 = arith.cmpi eq, %select_n3A_177, %eq3A_194 : vector<16xi32>
        %and3A_196 = arith.andi %ge3A_192, %eq3A_195 : vector<16xi1>
        %add3A_197 = arith.addf %select_n3A_176, %gather3A_186 : vector<16xf32>
        %select_n3A_198 = arith.select %and3A_196, %add3A_197, %select_n3A_176 : vector<16xi1>, vector<16xf32>
        %select_n3A_199 = arith.select %and3A_196, %gather3A_189, %select_n3A_177 : vector<16xi1>, vector<16xi32>
        %sub3A_200 = arith.constant 8 : i32
        %sub3A_201 = vector.broadcast %sub3A_200 : i32 to vector<16xi32>
        %sub3A_202 = arith.subi %iota3A, %sub3A_201 : vector<16xi32>
        %max3A_203 = arith.constant 0 : i32
        %max3A_204 = vector.broadcast %max3A_203 : i32 to vector<16xi32>
        %max3A_205 = arith.maxsi %sub3A_202, %max3A_204 : vector<16xi32>
        %broadcast_in_dim3A_206 = vector.shape_cast %max3A_205 : vector<16xi32> to vector<16x1xi32>
        %gather3A_207 = vector.shape_cast %broadcast_in_dim3A_206 : vector<16x1xi32> to vector<16xi32>
        %gather3A_208 = tpu.dynamic_gather %select_n3A_198[%gather3A_207] in [0] : vector<16xf32>, vector<16xi32> -> vector<16xf32>
        %broadcast_in_dim3A_209 = vector.shape_cast %max3A_205 : vector<16xi32> to vector<16x1xi32>
        %gather3A_210 = vector.shape_cast %broadcast_in_dim3A_209 : vector<16x1xi32> to vector<16xi32>
        %gather3A_211 = tpu.dynamic_gather %select_n3A_199[%gather3A_210] in [0] : vector<16xi32>, vector<16xi32> -> vector<16xi32>
        %ge3A_212 = arith.constant 8 : i32
        %ge3A_213 = vector.broadcast %ge3A_212 : i32 to vector<16xi32>
        %ge3A_214 = arith.cmpi sge, %iota3A, %ge3A_213 : vector<16xi32>
        %eq3A_215 = arith.constant 0 : i32
        %eq3A_216 = vector.broadcast %eq3A_215 : i32 to vector<16xi32>
        %eq3A_217 = arith.cmpi eq, %select_n3A_199, %eq3A_216 : vector<16xi32>
        %and3A_218 = arith.andi %ge3A_214, %eq3A_217 : vector<16xi1>
        %add3A_219 = arith.addf %select_n3A_198, %gather3A_208 : vector<16xf32>
        %select_n3A_220 = arith.select %and3A_218, %add3A_219, %select_n3A_198 : vector<16xi1>, vector<16xf32>
        %select_n3A_221 = arith.select %and3A_218, %gather3A_211, %select_n3A_199 : vector<16xi1>, vector<16xi32>
        %add3A_222 = arith.constant 1 : i32
        %add3A_223 = vector.broadcast %add3A_222 : i32 to vector<16xi32>
        %add3A_224 = arith.addi %iota3A, %add3A_223 : vector<16xi32>
        %min3A_225 = arith.constant 15 : i32
        %min3A_226 = vector.broadcast %min3A_225 : i32 to vector<16xi32>
        %min3A_227 = arith.minsi %add3A_224, %min3A_226 : vector<16xi32>
        %broadcast_in_dim3A_228 = vector.shape_cast %min3A_227 : vector<16xi32> to vector<16x1xi32>
        %gather3A_229 = vector.shape_cast %broadcast_in_dim3A_228 : vector<16x1xi32> to vector<16xi32>
        %gather3A_230 = tpu.dynamic_gather %convert_element_type3A_109[%gather3A_229] in [0] : vector<16xi32>, vector<16xi32> -> vector<16xi32>
        %lt3A_231 = arith.constant 15 : i32
        %lt3A_232 = vector.broadcast %lt3A_231 : i32 to vector<16xi32>
        %lt3A_233 = arith.cmpi slt, %iota3A, %lt3A_232 : vector<16xi32>
        %eq3A_234 = arith.constant 1 : i32
        %eq3A_235 = vector.broadcast %eq3A_234 : i32 to vector<16xi32>
        %eq3A_236 = arith.cmpi eq, %gather3A_230, %eq3A_235 : vector<16xi32>
        %and3A_237 = arith.andi %lt3A_233, %eq3A_236 : vector<16xi1>
        tpu.vector_store_idx %arg7[%get3A_90], %select_n3A_220 masked %and3A_237 {add = true} : memref<10240xf32, #tpu.memory_space<vmem>>[vector<16xi32>], vector<16xf32>, vector<16xi1>
        %mul3A_238 = arith.constant 0 : i32
        %mul3A_239 = vector.broadcast %mul3A_238 : i32 to vector<16xi32>
        %mul3A_240 = arith.muli %iota3A, %mul3A_239 : vector<16xi32>
        %add3A_241 = arith.constant 15 : i32
        %add3A_242 = vector.broadcast %add3A_241 : i32 to vector<16xi32>
        %add3A_243 = arith.addi %mul3A_240, %add3A_242 : vector<16xi32>
        %broadcast_in_dim3A_244 = vector.shape_cast %add3A_243 : vector<16xi32> to vector<16x1xi32>
        %gather3A_245 = vector.shape_cast %broadcast_in_dim3A_244 : vector<16x1xi32> to vector<16xi32>
        %gather3A_246 = tpu.dynamic_gather %select_n3A_220[%gather3A_245] in [0] : vector<16xf32>, vector<16xi32> -> vector<16xf32>
        %eq3A_247 = arith.constant 0 : i32
        %eq3A_248 = vector.broadcast %eq3A_247 : i32 to vector<16xi32>
        %eq3A_249 = arith.cmpi eq, %iota3A, %eq3A_248 : vector<16xi32>
        %select_n3A_250 = arith.select %eq3A_249, %gather3A_246, %broadcast_in_dim3A_0 : vector<16xi1>, vector<16xf32>
        scf.yield %select_n3A_250 : vector<16xf32>
      }
      %while3A_61 = arith.constant 1 : i32
      %while3A_62 = scf.for %while3A_86 = %while3A_58 to %while3A_54 step %while3A_61 iter_args(%while3A_87 = %while3A_60) -> (vector<16xf32>)  : i32 {
        %mul3A_88 = arith.constant 16 : i32
        %mul3A_89 = arith.muli %while3A_86, %mul3A_88 : i32
        %get3A = arith.index_cast %mul3A_89 : i32 to index
        %get3A_90 = tpu.vector_load %arg5[%get3A] {strides = array<i32>} : memref<24000xi32, #tpu.memory_space<vmem>>, vector<16xi32>,
        %get3A_91 = arith.index_cast %mul3A_89 : i32 to index
        %get3A_92 = tpu.vector_load %arg6[%get3A_91] {strides = array<i32>} : memref<24000xf32, #tpu.memory_space<vmem>>, vector<16xf32>,
        %add3A_93 = vector.broadcast %mul3A_89 : i32 to vector<16xi32>
        %add3A_94 = arith.addi %iota3A, %add3A_93 : vector<16xi32>
        %sub3A_95 = arith.constant 1 : i32
        %sub3A_96 = vector.broadcast %sub3A_95 : i32 to vector<16xi32>
        %sub3A_97 = arith.subi %add3A_94, %sub3A_96 : vector<16xi32>
        %max3A = arith.constant 0 : i32
        %max3A_98 = vector.broadcast %max3A : i32 to vector<16xi32>
        %max3A_99 = arith.maxsi %sub3A_97, %max3A_98 : vector<16xi32>
        %gather3A_100 = tpu.vector_load_idx %arg5[%max3A_99] : memref<24000xi32, #tpu.memory_space<vmem>>[vector<16xi32>], vector<16xi32>,
        %ne3A_101 = arith.cmpi ne, %get3A_90, %gather3A_100 : vector<16xi32>
        %eq3A_102 = arith.constant 0 : i32
        %eq3A_103 = vector.broadcast %eq3A_102 : i32 to vector<16xi32>
        %eq3A_104 = arith.cmpi eq, %iota3A, %eq3A_103 : vector<16xi32>
        %eq3A_105 = arith.constant 0 : i32
        %eq3A_106 = arith.cmpi eq, %while3A_86, %eq3A_105 : i32
        %and3A_107 = vector.broadcast %eq3A_106 : i1 to vector<16xi1>
        %and3A_108 = arith.andi %eq3A_104, %and3A_107 : vector<16xi1>
        %or3A = arith.ori %ne3A_101, %and3A_108 : vector<16xi1>
        %convert_element_type3A_109 = arith.extui %or3A : vector<16xi1> to vector<16xi32>
        %mul3A_110 = arith.constant 0 : i32
        %mul3A_111 = vector.broadcast %mul3A_110 : i32 to vector<16xi32>
        %mul3A_112 = arith.muli %iota3A, %mul3A_111 : vector<16xi32>
        %broadcast_in_dim3A_113 = vector.shape_cast %mul3A_112 : vector<16xi32> to vector<16x1xi32>
        %gather3A_114 = vector.shape_cast %broadcast_in_dim3A_113 : vector<16x1xi32> to vector<16xi32>
        %gather3A_115 = tpu.dynamic_gather %convert_element_type3A_109[%gather3A_114] in [0] : vector<16xi32>, vector<16xi32> -> vector<16xi32>
        %eq3A_116 = arith.constant 0 : i32
        %eq3A_117 = vector.broadcast %eq3A_116 : i32 to vector<16xi32>
        %eq3A_118 = arith.cmpi eq, %iota3A, %eq3A_117 : vector<16xi32>
        %eq3A_119 = arith.constant 1 : i32
        %eq3A_120 = vector.broadcast %eq3A_119 : i32 to vector<16xi32>
        %eq3A_121 = arith.cmpi eq, %gather3A_115, %eq3A_120 : vector<16xi32>
        %and3A_122 = arith.andi %eq3A_118, %eq3A_121 : vector<16xi1>
        %gt3A = arith.constant 0 : i32
        %gt3A_123 = arith.cmpi sgt, %while3A_86, %gt3A : i32
        %and3A_124 = vector.broadcast %gt3A_123 : i1 to vector<16xi1>
        %and3A_125 = arith.andi %and3A_122, %and3A_124 : vector<16xi1>
        tpu.vector_store_idx %arg7[%gather3A_100], %while3A_87 masked %and3A_125 {add = true} : memref<10240xf32, #tpu.memory_space<vmem>>[vector<16xi32>], vector<16xf32>, vector<16xi1>
        %eq3A_126 = arith.constant 0 : i32
        %eq3A_127 = vector.broadcast %eq3A_126 : i32 to vector<16xi32>
        %eq3A_128 = arith.cmpi eq, %iota3A, %eq3A_127 : vector<16xi32>
        %eq3A_129 = arith.constant 0 : i32
        %eq3A_130 = vector.broadcast %eq3A_129 : i32 to vector<16xi32>
        %eq3A_131 = arith.cmpi eq, %gather3A_115, %eq3A_130 : vector<16xi32>
        %and3A_132 = arith.andi %eq3A_128, %eq3A_131 : vector<16xi1>
        %select_n3A_133 = arith.select %and3A_132, %while3A_87, %broadcast_in_dim3A_0 : vector<16xi1>, vector<16xf32>
        %add3A_134 = arith.addf %get3A_92, %select_n3A_133 : vector<16xf32>
        %sub3A_135 = arith.constant 1 : i32
        %sub3A_136 = vector.broadcast %sub3A_135 : i32 to vector<16xi32>
        %sub3A_137 = arith.subi %iota3A, %sub3A_136 : vector<16xi32>
        %max3A_138 = arith.constant 0 : i32
        %max3A_139 = vector.broadcast %max3A_138 : i32 to vector<16xi32>
        %max3A_140 = arith.maxsi %sub3A_137, %max3A_139 : vector<16xi32>
        %broadcast_in_dim3A_141 = vector.shape_cast %max3A_140 : vector<16xi32> to vector<16x1xi32>
        %gather3A_142 = vector.shape_cast %broadcast_in_dim3A_141 : vector<16x1xi32> to vector<16xi32>
        %gather3A_143 = tpu.dynamic_gather %add3A_134[%gather3A_142] in [0] : vector<16xf32>, vector<16xi32> -> vector<16xf32>
        %broadcast_in_dim3A_144 = vector.shape_cast %max3A_140 : vector<16xi32> to vector<16x1xi32>
        %gather3A_145 = vector.shape_cast %broadcast_in_dim3A_144 : vector<16x1xi32> to vector<16xi32>
        %gather3A_146 = tpu.dynamic_gather %convert_element_type3A_109[%gather3A_145] in [0] : vector<16xi32>, vector<16xi32> -> vector<16xi32>
        %ge3A = arith.constant 1 : i32
        %ge3A_147 = vector.broadcast %ge3A : i32 to vector<16xi32>
        %ge3A_148 = arith.cmpi sge, %iota3A, %ge3A_147 : vector<16xi32>
        %eq3A_149 = arith.constant 0 : i32
        %eq3A_150 = vector.broadcast %eq3A_149 : i32 to vector<16xi32>
        %eq3A_151 = arith.cmpi eq, %convert_element_type3A_109, %eq3A_150 : vector<16xi32>
        %and3A_152 = arith.andi %ge3A_148, %eq3A_151 : vector<16xi1>
        %add3A_153 = arith.addf %add3A_134, %gather3A_143 : vector<16xf32>
        %select_n3A_154 = arith.select %and3A_152, %add3A_153, %add3A_134 : vector<16xi1>, vector<16xf32>
        %select_n3A_155 = arith.select %and3A_152, %gather3A_146, %convert_element_type3A_109 : vector<16xi1>, vector<16xi32>
        %sub3A_156 = arith.constant 2 : i32
        %sub3A_157 = vector.broadcast %sub3A_156 : i32 to vector<16xi32>
        %sub3A_158 = arith.subi %iota3A, %sub3A_157 : vector<16xi32>
        %max3A_159 = arith.constant 0 : i32
        %max3A_160 = vector.broadcast %max3A_159 : i32 to vector<16xi32>
        %max3A_161 = arith.maxsi %sub3A_158, %max3A_160 : vector<16xi32>
        %broadcast_in_dim3A_162 = vector.shape_cast %max3A_161 : vector<16xi32> to vector<16x1xi32>
        %gather3A_163 = vector.shape_cast %broadcast_in_dim3A_162 : vector<16x1xi32> to vector<16xi32>
        %gather3A_164 = tpu.dynamic_gather %select_n3A_154[%gather3A_163] in [0] : vector<16xf32>, vector<16xi32> -> vector<16xf32>
        %broadcast_in_dim3A_165 = vector.shape_cast %max3A_161 : vector<16xi32> to vector<16x1xi32>
        %gather3A_166 = vector.shape_cast %broadcast_in_dim3A_165 : vector<16x1xi32> to vector<16xi32>
        %gather3A_167 = tpu.dynamic_gather %select_n3A_155[%gather3A_166] in [0] : vector<16xi32>, vector<16xi32> -> vector<16xi32>
        %ge3A_168 = arith.constant 2 : i32
        %ge3A_169 = vector.broadcast %ge3A_168 : i32 to vector<16xi32>
        %ge3A_170 = arith.cmpi sge, %iota3A, %ge3A_169 : vector<16xi32>
        %eq3A_171 = arith.constant 0 : i32
        %eq3A_172 = vector.broadcast %eq3A_171 : i32 to vector<16xi32>
        %eq3A_173 = arith.cmpi eq, %select_n3A_155, %eq3A_172 : vector<16xi32>
        %and3A_174 = arith.andi %ge3A_170, %eq3A_173 : vector<16xi1>
        %add3A_175 = arith.addf %select_n3A_154, %gather3A_164 : vector<16xf32>
        %select_n3A_176 = arith.select %and3A_174, %add3A_175, %select_n3A_154 : vector<16xi1>, vector<16xf32>
        %select_n3A_177 = arith.select %and3A_174, %gather3A_167, %select_n3A_155 : vector<16xi1>, vector<16xi32>
        %sub3A_178 = arith.constant 4 : i32
        %sub3A_179 = vector.broadcast %sub3A_178 : i32 to vector<16xi32>
        %sub3A_180 = arith.subi %iota3A, %sub3A_179 : vector<16xi32>
        %max3A_181 = arith.constant 0 : i32
        %max3A_182 = vector.broadcast %max3A_181 : i32 to vector<16xi32>
        %max3A_183 = arith.maxsi %sub3A_180, %max3A_182 : vector<16xi32>
        %broadcast_in_dim3A_184 = vector.shape_cast %max3A_183 : vector<16xi32> to vector<16x1xi32>
        %gather3A_185 = vector.shape_cast %broadcast_in_dim3A_184 : vector<16x1xi32> to vector<16xi32>
        %gather3A_186 = tpu.dynamic_gather %select_n3A_176[%gather3A_185] in [0] : vector<16xf32>, vector<16xi32> -> vector<16xf32>
        %broadcast_in_dim3A_187 = vector.shape_cast %max3A_183 : vector<16xi32> to vector<16x1xi32>
        %gather3A_188 = vector.shape_cast %broadcast_in_dim3A_187 : vector<16x1xi32> to vector<16xi32>
        %gather3A_189 = tpu.dynamic_gather %select_n3A_177[%gather3A_188] in [0] : vector<16xi32>, vector<16xi32> -> vector<16xi32>
        %ge3A_190 = arith.constant 4 : i32
        %ge3A_191 = vector.broadcast %ge3A_190 : i32 to vector<16xi32>
        %ge3A_192 = arith.cmpi sge, %iota3A, %ge3A_191 : vector<16xi32>
        %eq3A_193 = arith.constant 0 : i32
        %eq3A_194 = vector.broadcast %eq3A_193 : i32 to vector<16xi32>
        %eq3A_195 = arith.cmpi eq, %select_n3A_177, %eq3A_194 : vector<16xi32>
        %and3A_196 = arith.andi %ge3A_192, %eq3A_195 : vector<16xi1>
        %add3A_197 = arith.addf %select_n3A_176, %gather3A_186 : vector<16xf32>
        %select_n3A_198 = arith.select %and3A_196, %add3A_197, %select_n3A_176 : vector<16xi1>, vector<16xf32>
        %select_n3A_199 = arith.select %and3A_196, %gather3A_189, %select_n3A_177 : vector<16xi1>, vector<16xi32>
        %sub3A_200 = arith.constant 8 : i32
        %sub3A_201 = vector.broadcast %sub3A_200 : i32 to vector<16xi32>
        %sub3A_202 = arith.subi %iota3A, %sub3A_201 : vector<16xi32>
        %max3A_203 = arith.constant 0 : i32
        %max3A_204 = vector.broadcast %max3A_203 : i32 to vector<16xi32>
        %max3A_205 = arith.maxsi %sub3A_202, %max3A_204 : vector<16xi32>
        %broadcast_in_dim3A_206 = vector.shape_cast %max3A_205 : vector<16xi32> to vector<16x1xi32>
        %gather3A_207 = vector.shape_cast %broadcast_in_dim3A_206 : vector<16x1xi32> to vector<16xi32>
        %gather3A_208 = tpu.dynamic_gather %select_n3A_198[%gather3A_207] in [0] : vector<16xf32>, vector<16xi32> -> vector<16xf32>
        %broadcast_in_dim3A_209 = vector.shape_cast %max3A_205 : vector<16xi32> to vector<16x1xi32>
        %gather3A_210 = vector.shape_cast %broadcast_in_dim3A_209 : vector<16x1xi32> to vector<16xi32>
        %gather3A_211 = tpu.dynamic_gather %select_n3A_199[%gather3A_210] in [0] : vector<16xi32>, vector<16xi32> -> vector<16xi32>
        %ge3A_212 = arith.constant 8 : i32
        %ge3A_213 = vector.broadcast %ge3A_212 : i32 to vector<16xi32>
        %ge3A_214 = arith.cmpi sge, %iota3A, %ge3A_213 : vector<16xi32>
        %eq3A_215 = arith.constant 0 : i32
        %eq3A_216 = vector.broadcast %eq3A_215 : i32 to vector<16xi32>
        %eq3A_217 = arith.cmpi eq, %select_n3A_199, %eq3A_216 : vector<16xi32>
        %and3A_218 = arith.andi %ge3A_214, %eq3A_217 : vector<16xi1>
        %add3A_219 = arith.addf %select_n3A_198, %gather3A_208 : vector<16xf32>
        %select_n3A_220 = arith.select %and3A_218, %add3A_219, %select_n3A_198 : vector<16xi1>, vector<16xf32>
        %select_n3A_221 = arith.select %and3A_218, %gather3A_211, %select_n3A_199 : vector<16xi1>, vector<16xi32>
        %add3A_222 = arith.constant 1 : i32
        %add3A_223 = vector.broadcast %add3A_222 : i32 to vector<16xi32>
        %add3A_224 = arith.addi %iota3A, %add3A_223 : vector<16xi32>
        %min3A_225 = arith.constant 15 : i32
        %min3A_226 = vector.broadcast %min3A_225 : i32 to vector<16xi32>
        %min3A_227 = arith.minsi %add3A_224, %min3A_226 : vector<16xi32>
        %broadcast_in_dim3A_228 = vector.shape_cast %min3A_227 : vector<16xi32> to vector<16x1xi32>
        %gather3A_229 = vector.shape_cast %broadcast_in_dim3A_228 : vector<16x1xi32> to vector<16xi32>
        %gather3A_230 = tpu.dynamic_gather %convert_element_type3A_109[%gather3A_229] in [0] : vector<16xi32>, vector<16xi32> -> vector<16xi32>
        %lt3A_231 = arith.constant 15 : i32
        %lt3A_232 = vector.broadcast %lt3A_231 : i32 to vector<16xi32>
        %lt3A_233 = arith.cmpi slt, %iota3A, %lt3A_232 : vector<16xi32>
        %eq3A_234 = arith.constant 1 : i32
        %eq3A_235 = vector.broadcast %eq3A_234 : i32 to vector<16xi32>
        %eq3A_236 = arith.cmpi eq, %gather3A_230, %eq3A_235 : vector<16xi32>
        %and3A_237 = arith.andi %lt3A_233, %eq3A_236 : vector<16xi1>
        tpu.vector_store_idx %arg7[%get3A_90], %select_n3A_220 masked %and3A_237 {add = true} : memref<10240xf32, #tpu.memory_space<vmem>>[vector<16xi32>], vector<16xf32>, vector<16xi1>
        %mul3A_238 = arith.constant 0 : i32
        %mul3A_239 = vector.broadcast %mul3A_238 : i32 to vector<16xi32>
        %mul3A_240 = arith.muli %iota3A, %mul3A_239 : vector<16xi32>
        %add3A_241 = arith.constant 15 : i32
        %add3A_242 = vector.broadcast %add3A_241 : i32 to vector<16xi32>
        %add3A_243 = arith.addi %mul3A_240, %add3A_242 : vector<16xi32>
        %broadcast_in_dim3A_244 = vector.shape_cast %add3A_243 : vector<16xi32> to vector<16x1xi32>
        %gather3A_245 = vector.shape_cast %broadcast_in_dim3A_244 : vector<16x1xi32> to vector<16xi32>
        %gather3A_246 = tpu.dynamic_gather %select_n3A_220[%gather3A_245] in [0] : vector<16xf32>, vector<16xi32> -> vector<16xf32>
        %eq3A_247 = arith.constant 0 : i32
        %eq3A_248 = vector.broadcast %eq3A_247 : i32 to vector<16xi32>
        %eq3A_249 = arith.cmpi eq, %iota3A, %eq3A_248 : vector<16xi32>
        %select_n3A_250 = arith.select %eq3A_249, %gather3A_246, %broadcast_in_dim3A_0 : vector<16xi1>, vector<16xf32>
        scf.yield %select_n3A_250 : vector<16xf32>
      }
      %mul3A_63 = arith.constant 0 : i32
      %mul3A_64 = vector.broadcast %mul3A_63 : i32 to vector<16xi32>
      %mul3A_65 = arith.muli %iota3A, %mul3A_64 : vector<16xi32>
      %sub3A_66 = arith.constant 1 : i32
      %sub3A_67 = arith.subi %sub3A, %sub3A_66 : i32
      %add3A_68 = vector.broadcast %sub3A_67 : i32 to vector<16xi32>
      %add3A_69 = arith.addi %mul3A_65, %add3A_68 : vector<16xi32>
      %gather3A = tpu.vector_load_idx %arg5[%add3A_69] : memref<24000xi32, #tpu.memory_space<vmem>>[vector<16xi32>], vector<16xi32>,
      %eq3A_70 = arith.constant 0 : i32
      %eq3A_71 = vector.broadcast %eq3A_70 : i32 to vector<16xi32>
      %eq3A_72 = arith.cmpi eq, %iota3A, %eq3A_71 : vector<16xi32>
      tpu.vector_store_idx %arg7[%gather3A], %while3A_62 masked %eq3A_72 {add = true} : memref<10240xf32, #tpu.memory_space<vmem>>[vector<16xi32>], vector<16xf32>, vector<16xi1>
      %scan3A_73 = arith.constant 0 : i32
      %scan3A_74 = arith.constant 0 : i32
      %scan3A_75 = arith.constant 640 : i32
      %scan3A_76 = arith.addi %scan3A_74, %scan3A_75 : i32
      %scan3A_77 = arith.constant 1 : i32
      %scan3A_78 = scf.for %scan3A_86 = %scan3A_74 to %scan3A_76 step %scan3A_77 iter_args(%scan3A_87 = %scan3A_73) -> (i32)  : i32 {
        %mul3A_88 = arith.constant 16 : i32
        %mul3A_89 = arith.muli %scan3A_86, %mul3A_88 : i32
        %add3A_90 = vector.broadcast %mul3A_89 : i32 to vector<16xi32>
        %add3A_91 = arith.addi %iota3A, %add3A_90 : vector<16xi32>
        %mul3A_92 = arith.constant 16 : i32
        %mul3A_93 = arith.muli %scan3A_86, %mul3A_92 : i32
        %swap3A = arith.index_cast %mul3A_93 : i32 to index
        %swap3A_94 = tpu.vector_load %arg9[%swap3A] {strides = array<i32>} : memref<10240xi32, #tpu.memory_space<vmem>>, vector<16xi32>,
        tpu.vector_store %arg9[%swap3A], %add3A_91 {strides = array<i32>} : memref<10240xi32, #tpu.memory_space<vmem>>, vector<16xi32>,
        %scan3A_95 = arith.constant 0 : i32
        scf.yield %scan3A_95 : i32
      }
      %scan3A_79 = arith.constant 640 : i32
      "tpu.region"() ({
        %run_scoped3A = tpu.sem_alloc : memref<!tpu.dma_semaphore, #tpu.memory_space<semaphore_mem>>
        %dma_start3A = arith.constant 0 : i32
        %dma_start3A_86 = tpu.memref_slice %arg10[%dma_start3A] : memref<10240xf32, #tpu.memory_space<vmem_shared>> -> memref<10240xf32, #tpu.memory_space<vmem_shared>>
        tpu.enqueue_indirect_dma source(%arg7 : memref<10240xf32, #tpu.memory_space<vmem>>) target(%dma_start3A_86 : memref<10240xf32, #tpu.memory_space<vmem_shared>>) offsets(%arg9 : memref<10240xi32, #tpu.memory_space<vmem>>) semaphore(%run_scoped3A : memref<!tpu.dma_semaphore, #tpu.memory_space<semaphore_mem>>) {add = true}
        %dma_wait3A = arith.constant 0 : i32
        %dma_wait3A_87 = tpu.memref_slice %arg10[%dma_wait3A] : memref<10240xf32, #tpu.memory_space<vmem_shared>> -> memref<10240xf32, #tpu.memory_space<vmem_shared>>
        tpu.wait_indirect_dma semaphore(%run_scoped3A : memref<!tpu.dma_semaphore, #tpu.memory_space<semaphore_mem>>) src(%arg7 : memref<10240xf32, #tpu.memory_space<vmem>>) dst(%dma_wait3A_87 : memref<10240xf32, #tpu.memory_space<vmem_shared>>)
        tpu.yield
      }) : () -> ()
      %barrier3A_80 = arith.constant 0 : index
      tpu.barrier barrier_id(%barrier3A_80)
      %eq3A_81 = arith.constant 0 : i32
      %eq3A_82 = arith.cmpi eq, %arg1, %eq3A_81 : i32
      %convert_element_type3A_83 = arith.extui %eq3A_82 : i1 to i32
      %cond3A_84 = arith.constant 0 : i32
      %cond3A_85 = arith.cmpi ne, %convert_element_type3A_83, %cond3A_84 : i32
      scf.if %cond3A_85 {
        "tpu.region"() ({
          %run_scoped3A = tpu.sem_alloc : memref<!tpu.dma_semaphore, #tpu.memory_space<semaphore_mem>>
          %dma_start3A = arith.constant 0 : i32
          %dma_start3A_86 = tpu.memref_slice %arg8[%dma_start3A] : memref<10240xf32, #tpu.memory_space<vmem>> -> memref<10000xf32, #tpu.memory_space<vmem>>
          %dma_start3A_87 = arith.constant 0 : i32
          %dma_start3A_88 = tpu.memref_slice %arg10[%dma_start3A_87] : memref<10240xf32, #tpu.memory_space<vmem_shared>> -> memref<10000xf32, #tpu.memory_space<vmem_shared>>
          %dma_start3A_89 = arith.constant 0 : i32
          %dma_start3A_90 = tpu.memref_slice %arg8[%dma_start3A_89] : memref<10240xf32, #tpu.memory_space<vmem>> -> memref<10000xf32, #tpu.memory_space<vmem>>
          %dma_start3A_91 = arith.constant 0 : i32
          %dma_start3A_92 = tpu.memref_slice %arg10[%dma_start3A_91] : memref<10240xf32, #tpu.memory_space<vmem_shared>> -> memref<10000xf32, #tpu.memory_space<vmem_shared>>
          tpu.enqueue_dma source(%dma_start3A_92 : memref<10000xf32, #tpu.memory_space<vmem_shared>>) target(%dma_start3A_90 : memref<10000xf32, #tpu.memory_space<vmem>>) target_semaphore(%run_scoped3A : memref<!tpu.dma_semaphore, #tpu.memory_space<semaphore_mem>>)
          %dma_wait3A = arith.constant 0 : i32
          %dma_wait3A_93 = tpu.memref_slice %arg8[%dma_wait3A] : memref<10240xf32, #tpu.memory_space<vmem>> -> memref<10000xf32, #tpu.memory_space<vmem>>
          %dma_wait3A_94 = arith.constant 0 : i32
          %dma_wait3A_95 = tpu.memref_slice %arg10[%dma_wait3A_94] : memref<10240xf32, #tpu.memory_space<vmem_shared>> -> memref<10000xf32, #tpu.memory_space<vmem_shared>>
          %dma_wait3A_96 = arith.constant 0 : i32
          %dma_wait3A_97 = tpu.memref_slice %arg8[%dma_wait3A_96] : memref<10240xf32, #tpu.memory_space<vmem>> -> memref<10000xf32, #tpu.memory_space<vmem>>
          %dma_wait3A_98 = arith.constant 0 : i32
          %dma_wait3A_99 = tpu.memref_slice %arg10[%dma_wait3A_98] : memref<10240xf32, #tpu.memory_space<vmem_shared>> -> memref<10000xf32, #tpu.memory_space<vmem_shared>>
          tpu.wait_dma2 semaphore(%run_scoped3A : memref<!tpu.dma_semaphore, #tpu.memory_space<semaphore_mem>>) src(%dma_wait3A_99 : memref<10000xf32, #tpu.memory_space<vmem_shared>>) dst(%dma_wait3A_97 : memref<10000xf32, #tpu.memory_space<vmem>>)
          tpu.yield
        }) : () -> ()
        "tpu.region"() ({
          %run_scoped3A = tpu.sem_alloc : memref<!tpu.dma_semaphore, #tpu.memory_space<semaphore_mem>>
          %dma_start3A = arith.constant 0 : i32
          %dma_start3A_86 = tpu.memref_slice %arg8[%dma_start3A] : memref<10240xf32, #tpu.memory_space<vmem>> -> memref<10000xf32, #tpu.memory_space<vmem>>
          %dma_start3A_87 = arith.constant 0 : i32
          %dma_start3A_88 = tpu.memref_slice %arg8[%dma_start3A_87] : memref<10240xf32, #tpu.memory_space<vmem>> -> memref<10000xf32, #tpu.memory_space<vmem>>
          tpu.enqueue_dma source(%dma_start3A_88 : memref<10000xf32, #tpu.memory_space<vmem>>) target(%arg4 : memref<10000xf32, #tpu.memory_space<hbm>>) target_semaphore(%run_scoped3A : memref<!tpu.dma_semaphore, #tpu.memory_space<semaphore_mem>>)
          %dma_wait3A = arith.constant 0 : i32
          %dma_wait3A_89 = tpu.memref_slice %arg8[%dma_wait3A] : memref<10240xf32, #tpu.memory_space<vmem>> -> memref<10000xf32, #tpu.memory_space<vmem>>
          %dma_wait3A_90 = arith.constant 0 : i32
          %dma_wait3A_91 = tpu.memref_slice %arg8[%dma_wait3A_90] : memref<10240xf32, #tpu.memory_space<vmem>> -> memref<10000xf32, #tpu.memory_space<vmem>>
          tpu.wait_dma2 semaphore(%run_scoped3A : memref<!tpu.dma_semaphore, #tpu.memory_space<semaphore_mem>>) src(%dma_wait3A_91 : memref<10000xf32, #tpu.memory_space<vmem>>) dst(%arg4 : memref<10000xf32, #tpu.memory_space<hbm>>)
          tpu.yield
        }) : () -> ()
      } else {
      }
    } else {
    }
    return
  }
}

module attributes {stable_mosaic.version = 14 : i64} {
  func.func @body(%arg0: memref<10000x128xf32, #tpu.memory_space<vmem>>, %arg1: memref<128x1xf32, #tpu.memory_space<vmem>>, %arg2: memref<1xf32, #tpu.memory_space<vmem>>, %arg3: memref<10000x1xf32, #tpu.memory_space<vmem>>) attributes {dimension_semantics = [], scalar_prefetch = 0 : i64, scratch_operands = 0 : i64, tpu.core_type = #tpu.core_type<tc>} {
    %get3A = arith.constant 0 : index
    %get3A_0 = arith.constant 0 : index
    %get3A_1 = vector.load %arg0[%get3A, %get3A_0] : memref<10000x128xf32, #tpu.memory_space<vmem>>, vector<10000x128xf32>
    %get3A_2 = arith.constant 0 : index
    %get3A_3 = arith.constant 0 : index
    %get3A_4 = vector.load %arg1[%get3A_2, %get3A_3] : memref<128x1xf32, #tpu.memory_space<vmem>>, vector<128x1xf32>
    %dot_general3A = arith.constant dense<0.000000e+00> : vector<10000x1xf32>
    %dot_general3A_5 = tpu.matmul %get3A_1, %get3A_4, %dot_general3A {dimension_numbers = #tpu.dot_dimension_numbers<[1], [0], [0], [1], [0, 0, 1, 1], [], []>, transpose_lhs_hint = false} : vector<10000x128xf32>, vector<128x1xf32>, vector<10000x1xf32> -> vector<10000x1xf32>
    %get3A_6 = arith.constant 0 : index
    %get3A_7 = vector.load %arg2[%get3A_6] : memref<1xf32, #tpu.memory_space<vmem>>, vector<1xf32>
    %get3A_8 = vector.extract %get3A_7[0] : f32 from vector<1xf32>
    %add3A = vector.broadcast %get3A_8 : f32 to vector<10000x1xf32>
    %add3A_9 = arith.addf %dot_general3A_5, %add3A : vector<10000x1xf32>
    %swap3A = arith.constant 0 : index
    %swap3A_10 = arith.constant 0 : index
    %swap3A_11 = vector.load %arg3[%swap3A, %swap3A_10] : memref<10000x1xf32, #tpu.memory_space<vmem>>, vector<10000x1xf32>
    tpu.vector_store %arg3[%swap3A, %swap3A_10], %add3A_9 {strides = array<i32>} : memref<10000x1xf32, #tpu.memory_space<vmem>>, vector<10000x1xf32>,
    return
  }
}

module attributes {stable_mosaic.version = 14 : i64} {
  func.func @body(%arg0: memref<10000xf32, #tpu.memory_space<vmem>>, %arg1: memref<10000xf32, #tpu.memory_space<vmem>>, %arg2: memref<10000xf32, #tpu.memory_space<vmem>>, %arg3: memref<10000xf32, #tpu.memory_space<vmem>>) attributes {dimension_semantics = [], scalar_prefetch = 0 : i64, scratch_operands = 0 : i64, tpu.core_type = #tpu.core_type<tc>} {
    %get3A = arith.constant 0 : index
    %get3A_0 = vector.load %arg0[%get3A] : memref<10000xf32, #tpu.memory_space<vmem>>, vector<10000xf32>
    %add3A = arith.constant 1.000000e+00 : f32
    %add3A_1 = vector.broadcast %add3A : f32 to vector<10000xf32>
    %add3A_2 = arith.addf %get3A_0, %add3A_1 : vector<10000xf32>
    %gt3A = arith.constant 0.000000e+00 : f32
    %gt3A_3 = vector.broadcast %gt3A : f32 to vector<10000xf32>
    %gt3A_4 = arith.cmpf ogt, %add3A_2, %gt3A_3 : vector<10000xf32>
    %rsqrt3A = math.rsqrt %add3A_2 : vector<10000xf32>
    %jit3A = arith.constant 0.000000e+00 : f32
    %broadcast_in_dim3A = vector.broadcast %jit3A : f32 to vector<10000xf32>
    %select_n3A = arith.select %gt3A_4, %rsqrt3A, %broadcast_in_dim3A : vector<10000xi1>, vector<10000xf32>
    %swap3A = arith.constant 0 : index
    %swap3A_5 = vector.load %arg2[%swap3A] : memref<10000xf32, #tpu.memory_space<vmem>>, vector<10000xf32>
    tpu.vector_store %arg2[%swap3A], %select_n3A {strides = array<i32>} : memref<10000xf32, #tpu.memory_space<vmem>>, vector<10000xf32>,
    %mul3A = arith.mulf %select_n3A, %select_n3A : vector<10000xf32>
    %get3A_6 = arith.constant 0 : index
    %get3A_7 = vector.load %arg1[%get3A_6] : memref<10000xf32, #tpu.memory_space<vmem>>, vector<10000xf32>
    %mul3A_8 = arith.mulf %mul3A, %get3A_7 : vector<10000xf32>
    %swap3A_9 = arith.constant 0 : index
    %swap3A_10 = vector.load %arg3[%swap3A_9] : memref<10000xf32, #tpu.memory_space<vmem>>, vector<10000xf32>
    tpu.vector_store %arg3[%swap3A_9], %mul3A_8 {strides = array<i32>} : memref<10000xf32, #tpu.memory_space<vmem>>, vector<10000xf32>,
    return
  }
}

module attributes {stable_mosaic.version = 14 : i64} {
  func.func @body(%arg0: i32, %arg1: memref<10000xf32, #tpu.memory_space<vmem>>, %arg2: memref<1x1x200xf32, #tpu.memory_space<vmem>>, %arg3: memref<200x128xf32, #tpu.memory_space<vmem>>, %arg4: memref<200x128xf32, #tpu.memory_space<vmem>>, %arg5: memref<1x1x200xi32, #tpu.memory_space<vmem>>, %arg6: memref<1x1x200xf32, #tpu.memory_space<vmem>>) attributes {dimension_semantics = [#tpu.dimension_semantics<arbitrary>], iteration_bounds = array<i64: 50>, scalar_prefetch = 0 : i64, scratch_operands = 0 : i64, tpu.core_type = #tpu.core_type<tc>, window_params = [{pipeline_mode = #tpu.pipeline_mode<synchronous>, transform_indices = @transform_0, window_bounds = array<i64: 10000>}, {transform_indices = @transform_1, window_bounds = array<i64: 1, 1, 200>}, {transform_indices = @transform_2, window_bounds = array<i64: 200, 128>}, {transform_indices = @transform_3, window_bounds = array<i64: 200, 128>}, {transform_indices = @transform_4, window_bounds = array<i64: 1, 1, 200>}, {transform_indices = @transform_5, window_bounds = array<i64: 1, 1, 200>}]} {
    %get3A = arith.constant 0 : index
    %get3A_0 = vector.load %arg1[%get3A] : memref<10000xf32, #tpu.memory_space<vmem>>, vector<10000xf32>
    %tanh3A = math.tanh %get3A_0 : vector<10000xf32>
    %bitcast_convert_type3A = tpu.bitcast %tanh3A : vector<10000xf32> -> vector<10000xi32>
    %lt3A = arith.constant 0 : i32
    %lt3A_1 = vector.broadcast %lt3A : i32 to vector<10000xi32>
    %lt3A_2 = arith.cmpi slt, %bitcast_convert_type3A, %lt3A_1 : vector<10000xi32>
    %xor3A = arith.constant 2147483647 : i32
    %xor3A_3 = vector.broadcast %xor3A : i32 to vector<10000xi32>
    %xor3A_4 = arith.xori %bitcast_convert_type3A, %xor3A_3 : vector<10000xi32>
    %select_n3A = arith.select %lt3A_2, %xor3A_4, %bitcast_convert_type3A : vector<10000xi1>, vector<10000xi32>
    %reshape3A = vector.shape_cast %select_n3A : vector<10000xi32> to vector<1x10000xi32>
    %get3A_5 = arith.constant 0 : index
    %get3A_6 = arith.constant 0 : index
    %get3A_7 = arith.constant 0 : index
    %get3A_8 = vector.load %arg2[%get3A_5, %get3A_6, %get3A_7] : memref<1x1x200xf32, #tpu.memory_space<vmem>>, vector<1x1x200xf32>
    %reshape3A_9 = vector.shape_cast %get3A_8 : vector<1x1x200xf32> to vector<200xf32>
    %tanh3A_10 = math.tanh %reshape3A_9 : vector<200xf32>
    %bitcast_convert_type3A_11 = tpu.bitcast %tanh3A_10 : vector<200xf32> -> vector<200xi32>
    %lt3A_12 = arith.constant 0 : i32
    %lt3A_13 = vector.broadcast %lt3A_12 : i32 to vector<200xi32>
    %lt3A_14 = arith.cmpi slt, %bitcast_convert_type3A_11, %lt3A_13 : vector<200xi32>
    %xor3A_15 = arith.constant 2147483647 : i32
    %xor3A_16 = vector.broadcast %xor3A_15 : i32 to vector<200xi32>
    %xor3A_17 = arith.xori %bitcast_convert_type3A_11, %xor3A_16 : vector<200xi32>
    %select_n3A_18 = arith.select %lt3A_14, %xor3A_17, %bitcast_convert_type3A_11 : vector<200xi1>, vector<200xi32>
    %reshape3A_19 = vector.shape_cast %select_n3A_18 : vector<200xi32> to vector<200x1xi32>
    %iota3A = tpu.iota {dimensions = array<i32: 1>} : vector<1x10000xi32>
    %iota3A_20 = tpu.iota {dimensions = array<i32: 0>} : vector<200x1xi32>
    %mul3A = arith.constant 200 : i32
    %mul3A_21 = arith.muli %arg0, %mul3A : i32
    %add3A = vector.broadcast %mul3A_21 : i32 to vector<200x1xi32>
    %add3A_22 = arith.addi %iota3A_20, %add3A : vector<200x1xi32>
    %gt3A = vector.broadcast %reshape3A : vector<1x10000xi32> to vector<200x10000xi32>
    %gt3A_23 = vector.broadcast %reshape3A_19 : vector<200x1xi32> to vector<200x10000xi32>
    %gt3A_24 = arith.cmpi sgt, %gt3A, %gt3A_23 : vector<200x10000xi32>
    %eq3A = vector.broadcast %reshape3A : vector<1x10000xi32> to vector<200x10000xi32>
    %eq3A_25 = vector.broadcast %reshape3A_19 : vector<200x1xi32> to vector<200x10000xi32>
    %eq3A_26 = arith.cmpi eq, %eq3A, %eq3A_25 : vector<200x10000xi32>
    %lt3A_27 = vector.broadcast %iota3A : vector<1x10000xi32> to vector<200x10000xi32>
    %lt3A_28 = vector.broadcast %add3A_22 : vector<200x1xi32> to vector<200x10000xi32>
    %lt3A_29 = arith.cmpi slt, %lt3A_27, %lt3A_28 : vector<200x10000xi32>
    %and3A = arith.andi %eq3A_26, %lt3A_29 : vector<200x10000xi1>
    %or3A = arith.ori %gt3A_24, %and3A : vector<200x10000xi1>
    %jit3A = arith.constant 1 : i32
    %jit3A_30 = arith.constant 0 : i32
    %broadcast_in_dim3A = vector.broadcast %jit3A : i32 to vector<200x10000xi32>
    %broadcast_in_dim3A_31 = vector.broadcast %jit3A_30 : i32 to vector<200x10000xi32>
    %select_n3A_32 = arith.select %or3A, %broadcast_in_dim3A, %broadcast_in_dim3A_31 : vector<200x10000xi1>, vector<200x10000xi32>
    %reduce_sum3A = arith.constant dense<0> : vector<200xi32>
    %reduce_sum3A_33 = vector.multi_reduction <add>, %select_n3A_32, %reduce_sum3A [1] : vector<200x10000xi32> to vector<200xi32>
    %reshape3A_34 = vector.shape_cast %reduce_sum3A_33 : vector<200xi32> to vector<1x1x200xi32>
    %swap3A = arith.constant 0 : index
    %swap3A_35 = arith.constant 0 : index
    %swap3A_36 = arith.constant 0 : index
    %swap3A_37 = vector.load %arg5[%swap3A, %swap3A_35, %swap3A_36] : memref<1x1x200xi32, #tpu.memory_space<vmem>>, vector<1x1x200xi32>
    tpu.vector_store %arg5[%swap3A, %swap3A_35, %swap3A_36], %reshape3A_34 {strides = array<i32>} : memref<1x1x200xi32, #tpu.memory_space<vmem>>, vector<1x1x200xi32>,
    %lt3A_38 = arith.constant 5000 : i32
    %lt3A_39 = vector.broadcast %lt3A_38 : i32 to vector<200xi32>
    %lt3A_40 = arith.cmpi slt, %reduce_sum3A_33, %lt3A_39 : vector<200xi32>
    %jit3A_41 = arith.constant 1.000000e+00 : f32
    %jit3A_42 = arith.constant 0.000000e+00 : f32
    %broadcast_in_dim3A_43 = vector.broadcast %jit3A_41 : f32 to vector<200xf32>
    %broadcast_in_dim3A_44 = vector.broadcast %jit3A_42 : f32 to vector<200xf32>
    %select_n3A_45 = arith.select %lt3A_40, %broadcast_in_dim3A_43, %broadcast_in_dim3A_44 : vector<200xi1>, vector<200xf32>
    %reshape3A_46 = vector.shape_cast %select_n3A_45 : vector<200xf32> to vector<1x1x200xf32>
    %swap3A_47 = arith.constant 0 : index
    %swap3A_48 = arith.constant 0 : index
    %swap3A_49 = arith.constant 0 : index
    %swap3A_50 = vector.load %arg6[%swap3A_47, %swap3A_48, %swap3A_49] : memref<1x1x200xf32, #tpu.memory_space<vmem>>, vector<1x1x200xf32>
    tpu.vector_store %arg6[%swap3A_47, %swap3A_48, %swap3A_49], %reshape3A_46 {strides = array<i32>} : memref<1x1x200xf32, #tpu.memory_space<vmem>>, vector<1x1x200xf32>,
    %get3A_51 = arith.constant 0 : index
    %get3A_52 = arith.constant 0 : index
    %get3A_53 = vector.load %arg3[%get3A_51, %get3A_52] : memref<200x128xf32, #tpu.memory_space<vmem>>, vector<200x128xf32>
    %broadcast_in_dim3A_54 = vector.shape_cast %tanh3A_10 : vector<200xf32> to vector<200x1xf32>
    %mul3A_55 = vector.broadcast %broadcast_in_dim3A_54 : vector<200x1xf32> to vector<200x128xf32>
    %mul3A_56 = arith.mulf %get3A_53, %mul3A_55 : vector<200x128xf32>
    %broadcast_in_dim3A_57 = vector.shape_cast %select_n3A_45 : vector<200xf32> to vector<200x1xf32>
    %mul3A_58 = vector.broadcast %broadcast_in_dim3A_57 : vector<200x1xf32> to vector<200x128xf32>
    %mul3A_59 = arith.mulf %mul3A_56, %mul3A_58 : vector<200x128xf32>
    %swap3A_60 = arith.constant 0 : index
    %swap3A_61 = arith.constant 0 : index
    %swap3A_62 = vector.load %arg4[%swap3A_60, %swap3A_61] : memref<200x128xf32, #tpu.memory_space<vmem>>, vector<200x128xf32>
    tpu.vector_store %arg4[%swap3A_60, %swap3A_61], %mul3A_59 {strides = array<i32>} : memref<200x128xf32, #tpu.memory_space<vmem>>, vector<200x128xf32>,
    return
  }
  func.func @transform_0(%arg0: i32) -> i32 {
    %c0_i32 = arith.constant 0 : i32
    %c0_i32_0 = arith.constant 0 : i32
    return %c0_i32 : i32
  }
  func.func @transform_1(%arg0: i32) -> (i32, i32, i32) {
    %c0_i32 = arith.constant 0 : i32
    %c0_i32_0 = arith.constant 0 : i32
    %c0_i32_1 = arith.constant 0 : i32
    return %arg0, %c0_i32, %c0_i32_0 : i32, i32, i32
  }
  func.func @transform_2(%arg0: i32) -> (i32, i32) {
    %c0_i32 = arith.constant 0 : i32
    %c0_i32_0 = arith.constant 0 : i32
    return %arg0, %c0_i32 : i32, i32
  }
  func.func @transform_3(%arg0: i32) -> (i32, i32) {
    %c0_i32 = arith.constant 0 : i32
    %c0_i32_0 = arith.constant 0 : i32
    return %arg0, %c0_i32 : i32, i32
  }
  func.func @transform_4(%arg0: i32) -> (i32, i32, i32) {
    %c0_i32 = arith.constant 0 : i32
    %c0_i32_0 = arith.constant 0 : i32
    %c0_i32_1 = arith.constant 0 : i32
    return %arg0, %c0_i32, %c0_i32_0 : i32, i32, i32
  }
  func.func @transform_5(%arg0: i32) -> (i32, i32, i32) {
    %c0_i32 = arith.constant 0 : i32
    %c0_i32_0 = arith.constant 0 : i32
    %c0_i32_1 = arith.constant 0 : i32
    return %arg0, %c0_i32, %c0_i32_0 : i32, i32, i32
  }
}

</mosaic_0001>

<sc_bundles>
// kernel: kernel.12.cloned.1.call-start
scs
__scs_entry_jumppad:
0x0: {  	(pc) =	sbr.rel $0x88, $3  }
0x1: {  	(tag) =	ssettag $0x0;
	lr =	simm.s32 $0x1  }
0x2: {  	[smem:$0x3F9D] =	sst lr;
	_ =	strace $0xD0000000  }
0x3: {  	_ = 	snop  }
0x4: {  	_ = 	snop  }
0x5: {  	_ = 	snop  }
0x6: {  	_ = 	snop  }
0x7: {  	_ = 	snop  }
__scs_overlays_trampoline_lowered:
0x8: {  	[smem:$0x3FAC] =	sst s0  }
0x9: {  	[smem:$0x3FAD] =	sst s1  }
0xa: {  	[smem:$0x3FAE] =	sst s2  }
0xb: {  	[smem:$0x3FAF] =	sst s3  }
0xc: {  	[smem:$0x3FB0] =	sst s4  }
0xd: {  	[smem:$0x3FB1] =	sst s5  }
0xe: {  	[smem:$0x3FB2] =	sst s6  }
0xf: {  	[smem:$0x3FB3] =	sst s7  }
0x10: {  	[smem:$0x3FB4] =	sst s8  }
0x11: {  	[smem:$0x3FB5] =	sst s9;
	s0 =	simm.s32 @!p0 $0x0  }
0x12: {  	s1 =	sld [smem:$0x3F9B];
	s0 =	simm.s32 @p0 $0x1  }
0x13: {  	[smem:$0x3FB6] =	sst s0;
	s0 =	simm.s32 @!p1 $0x0  }
0x14: {  	s2 =	sld [smem:$0x3F9A];
	s0 =	simm.s32 @p1 $0x1  }
0x15: {  	[smem:$0x3FB7] =	sst s0;
	s0 =	simm.s32 @!p2 $0x0  }
0x16: {  	s3 =	sld [smem:$0x3FDB];
	s0 =	simm.s32 @p2 $0x1  }
0x17: {  	s4 =	simm.s32 $0x1BF5;
	[smem:$0x3FB9] =	sst s0  }
0x18: {  	s0 =	sld [smem:$0x3F9C];
	_ =	swait.ge [sflag:s4], $0x0  }
0x19: {  	s7 =	sld [smem:$0x3F9D]  }
0x1a: {  	s8 =	sadd.s32 $0xFFFFE003, lr  }
0x1b: {  	s9 =	sadd.s32 $0xFFFFFEF7, lr;
	s5 =	simm.s32 $0xFFFFFFFF;
	p2 =	slt.u32 s8, $0xFFFFF086  }
0x1c: {  	p1 =	slt.u32 s9, $0xF7A;
	s5 =	simm.s32 @!p2 $0x0  }
0x1d: {  	s5 =	simm.s32 @p1 $0x1;
	p0 =	seq.s32 s7, s2  }
0x1e: {  	s7 =	smul.u32 @!p0 $0xF7A, s2;
	p2 =	seq.s32 @!p0 s5, $0x0  }
0x1f: {  	s9 =	smul.u32 $0xF7A, s1;
	s8 =	simm.s32 @!p0 $0x1BF5;
	p2 =	por !p2, p0  }
0x20: {  	[sflag:s8] =	ssyncset.s32 @!p0 $0xFFFFF086;
	s6 =	sadd.s32 @!p0 s3, s7;
	s7 =	simm.s32 @!p0 $0x108  }
0x21: {  	s3 =	sadd.s32 s3, s9;
	s6 =	sadd.s32 @!p0 $0x88, s6;
	s7 =	simm.s32 @p2 $0x1082  }
0x22: {  	[simem:s7], [sflag:s8] =	dma.local @!p0 [hbm:s6], $0xF7A  }
0x23: {  	s9 =	sor.u32 $0xD0000000, s2;
	s6 =	simm.s32 $0x108;
	_ =	swait.ge @!p0 [sflag:s8], $0x0  }
0x24: {  	s3 =	sadd.s32 $0x88, s3;
	s6 =	simm.s32 @!p1 $0x1082;
	[sflag:s4] =	ssyncset.s32 $0xFFFFF086  }
0x25: {  	[simem:s6], [sflag:s4] =	dma.local [hbm:s3], $0xF7A  }
0x26: {  	[smem:$0x3F9D] =	sst s1;
	(tag) =	ssettag s2;
	_ =	strace s9  }
0x27: {  	s1 =	sld [smem:$0x3FAD]  }
0x28: {  	s2 =	sld [smem:$0x3FAE]  }
0x29: {  	s4 =	sld [smem:$0x3FB0]  }
0x2a: {  	p0 =	seq.s32 s5, $0x0;
	s5 =	sld [smem:$0x3FB1]  }
0x2b: {  	s6 =	sld [smem:$0x3FB2]  }
0x2c: {  	s7 =	sld [smem:$0x3FB3]  }
0x2d: {  	s3 =	simm.s32 $0x108;
	s8 =	sld [smem:$0x3FB4]  }
0x2e: {  	s3 =	simm.s32 @!p0 $0x1082;
	s9 =	sld [smem:$0x3FB5]  }
0x2f: {  	lr =	sadd.s32 s0, s3;
	s0 =	sld [smem:$0x3FAC]  }
0x30: {  	s3 =	sld [smem:$0x3FAF]  }
0x31: {  	[smem:$0x3FB8] =	sst s10  }
0x32: {  	s10 =	sld [smem:$0x3FB6];
	_ =	sdelay $0x3  }
0x33: {  	p0 =	seq.s32 s10, $0x1;
	s10 =	sld [smem:$0x3FB8];
	_ =	sdelay $0x3  }
0x34: {  	[smem:$0x3FB8] =	sst s10  }
0x35: {  	s10 =	sld [smem:$0x3FB7];
	_ =	sdelay $0x3  }
0x36: {  	p1 =	seq.s32 s10, $0x1;
	s10 =	sld [smem:$0x3FB8];
	_ =	sdelay $0x3  }
0x37: {  	[smem:$0x3FB8] =	sst s10  }
0x38: {  	s10 =	sld [smem:$0x3FB9]  }
0x39: {  	_ = 	snop;
	(pc) =	sbr.ind lr, $3  }
0x3a: {  	_ = 	snop  }
0x3b: {  	_ = 	snop  }
0x3c: {  	p2 =	seq.s32 s10, $0x1;
	s10 =	sld [smem:$0x3FB8]  }
0x3d: {  	_ =	shalt  }
0x3e: {  	_ =	shalt  }
0x3f: {  	_ =	shalt  }
0x40: {  	_ =	shalt  }
0x41: {  	_ =	shalt  }
0x42: {  	_ =	shalt  }
0x43: {  	_ =	shalt  }
0x44: {  	_ =	shalt  }
0x45: {  	_ =	shalt  }
0x46: {  	_ =	shalt  }
0x47: {  	_ =	shalt  }
0x48: {  	_ =	shalt  }
0x49: {  	_ =	shalt  }
0x4a: {  	_ =	shalt  }
0x4b: {  	_ =	shalt  }
0x4c: {  	_ =	shalt  }
0x4d: {  	_ =	shalt  }
0x4e: {  	_ =	shalt  }
0x4f: {  	_ =	shalt  }
0x50: {  	_ =	shalt  }
0x51: {  	_ =	shalt  }
0x52: {  	_ =	shalt  }
0x53: {  	_ =	shalt  }
0x54: {  	_ =	shalt  }
0x55: {  	_ =	shalt  }
0x56: {  	_ =	shalt  }
0x57: {  	_ =	shalt  }
0x58: {  	_ =	shalt  }
0x59: {  	_ =	shalt  }
0x5a: {  	_ =	shalt  }
0x5b: {  	_ =	shalt  }
0x5c: {  	_ =	shalt  }
0x5d: {  	_ =	shalt  }
0x5e: {  	_ =	shalt  }
0x5f: {  	_ =	shalt  }
0x60: {  	_ =	shalt  }
0x61: {  	_ =	shalt  }
0x62: {  	_ =	shalt  }
0x63: {  	_ =	shalt  }
0x64: {  	_ =	shalt  }
0x65: {  	_ =	shalt  }
0x66: {  	_ =	shalt  }
0x67: {  	_ =	shalt  }
0x68: {  	_ =	shalt  }
0x69: {  	_ =	shalt  }
0x6a: {  	_ =	shalt  }
0x6b: {  	_ =	shalt  }
0x6c: {  	_ =	shalt  }
0x6d: {  	_ =	shalt  }
0x6e: {  	_ =	shalt  }
0x6f: {  	_ =	shalt  }
0x70: {  	_ =	shalt  }
0x71: {  	_ =	shalt  }
0x72: {  	_ =	shalt  }
0x73: {  	_ =	shalt  }
0x74: {  	_ =	shalt  }
0x75: {  	_ =	shalt  }
0x76: {  	_ =	shalt  }
0x77: {  	_ =	shalt  }
0x78: {  	_ =	shalt  }
0x79: {  	_ =	shalt  }
0x7a: {  	_ =	shalt  }
0x7b: {  	_ =	shalt  }
0x7c: {  	_ =	shalt  }
0x7d: {  	_ =	shalt  }
0x7e: {  	_ =	shalt  }
0x7f: {  	_ =	shalt  }
0x80: {  	_ =	shalt  }
0x81: {  	_ =	shalt  }
0x82: {  	_ =	shalt  }
0x83: {  	_ =	shalt  }
0x84: {  	_ =	shalt  }
0x85: {  	_ =	shalt  }
0x86: {  	_ =	shalt  }
0x87: {  	_ =	shalt  }
.Lfunc_end0:
.L_simem_size_0:
called_computation.1_lowered:
.L_overlay_start_0:
0x88: {  	s2 =	sld [smem:$0x3FD9]  }
0x89: {  	s3 =	sld [smem:$0x3FFE];
	_ =	sdelay $0x1  }
0x8a: {  	s1 =	srdreg.scid  }
0x8b: {  	s0 =	sand.u32 $0x1, s1  }
0x8c: {  	s14 =	sshll.u32 s0, $0xA;
	s2 =	sadd.s32 s3, s2  }
0x8d: {  	s2 =	sadd.s32 s2, s14  }
0x8e: {  	[smem:$0x3FC4] =	sst s2  }
0x8f: {  	_ = 	snop  }
0x90: {  	s2 =	sld [smem:$0x3FD0];
	_ =	sdelay $0x2  }
0x91: {  	s15 =	simm.s32 $0xA;
	s4 =	simm.s32 $0x10  }
0x92: {  	[smem:s4], [sflag:s15] =	dma.local [hbm:s2], $0x1  }
0x93: {  	_ =	swait.eq [sflag:s15], $0x1  }
0x94: {  	s16 =	sld [smem:$0x11];
	[sflag:s15] =	ssyncset.done $0x0  }
0x95: {  	s17 =	sld [smem:$0x12];
	[sflag:s15] =	ssyncadd.s32 $0xFFFFFFFF  }
0x96: {  	s18 =	sld [smem:$0x13];
	(tm) =	ssettm $0x1  }
0x97: {  	s5 =	sld [smem:$0x3FFB];
	_ =	sdelay $0x3  }
0x98: {  	_ =	strace s5  }
0x99: {  	s5 =	sld [smem:$0x3FFC];
	_ =	sdelay $0x3  }
0x9a: {  	_ =	strace s5  }
0x9b: {  	s5 =	sld [smem:$0x3FFD];
	_ =	sdelay $0x3  }
0x9c: {  	_ =	strace s5  }
0x9d: {  	_ =	strace $0x8FFFFFFF  }
0x9e: {  	s19 =	sld [smem:$0x3FDB];
	_ =	sdelay $0x1  }
0x9f: {  	s6 =	simm.s32 $_scs_section_size  }
0xa0: {  	s7 =	simm.s32 $_size__tile_overlayer_lowered;
	s8 =	simm.s32 $_tile_overlayer_lowered  }
0xa1: {  	s22 =	simm.s32 $0x1BFF;
	s21 =	sshll.u32 s8, $0x1;
	s5 =	sadd.s32 s6, s19  }
0xa2: {  	s9 =	simm.s32 $0x0;
	s20 =	sshll.u32 s7, $0x1;
	s7 =	sadd.s32 s21, s5  }
0xa3: {  	[timem:s9], [sflag:s22] =	dma.local [hbm:s7], s20  }
0xa4: {  	_ =	swait.ge [sflag:s22], s20  }
0xa5: {  	s6 =	ssub.s32 $0x0, s20;
	[sflag:s22] =	ssyncset.done $0x0  }
0xa6: {  	[sflag:s22] =	ssyncadd.s32 s6;
	_ =	sdelay $0x1  }
0xa7: {  	s23 =	simm.s32 $0x1B8B  }
0xa8: {  	_ =	swait.ge [sflag:s23], $0x1  }
0xa9: {  	[sflag:s23] =	ssyncset.done $0x0  }
0xaa: {  	s25 =	simm.s32 $0x1B8E;
	s24 =	sld [smem:$0x3FFE];
	[sflag:s23] =	ssyncadd.s32 $0xFFFFFFFF  }
0xab: {  	s26 =	simm.s32 $execute0_lowered;
	[smem:$0x3FD2] =	sst s25  }
0xac: {  	s7 =	sshll.u32 s26, $0x1;
	_ =	strace $0x80000049;
	[dreg:$0x1] =	wrdreg $0xFFFFFFFF  }
0xad: {  	s28 =	simm.s32 $_size_execute0_lowered;
	s5 =	sadd.s32 s5, s7;
	[dreg:$0x0] =	wrdreg $0x0  }
0xae: {  	s7 =	sshll.u32 s28, $0x1;
	[dreg:$0x2] =	wrdreg s5  }
0xaf: {  	[dreg:$0x3] =	wrdreg s7  }
0xb0: {  	[dreg:$0x4] =	wrdreg $0xC0  }
0xb1: {  	_ =	task [dreg:s9], $0x5FFFF  }
0xb2: {  	[dreg:$0x1] =	wrdreg $0xFFFFFFFF  }
0xb3: {  	[dreg:$0x0] =	wrdreg $0x60  }
0xb4: {  	[dreg:$0x2] =	wrdreg s24  }
0xb5: {  	[dreg:$0x3] =	wrdreg s18  }
0xb6: {  	[dreg:$0x4] =	wrdreg s16  }
0xb7: {  	[dreg:$0x5] =	wrdreg s17  }
0xb8: {  	[dreg:$0x6] =	wrdreg $0x9  }
0xb9: {  	_ =	task.clear_ibuf [dreg:s9], $0x7FFFF;
	_ =	strace $0x90000049  }
0xba: {  	s29 =	simm.s32 $0x9;
	_ =	strace $0x8000004B  }
0xbb: {  	_ =	swait.ge [sflag:s29], $0x1  }
0xbc: {  	[sflag:s29] =	ssyncadd.s32 $0xFFFFFFFF  }
0xbd: {  	_ =	strace $0x9000004B  }
0xbe: {  	_ =	sfence  }
0xbf: {  	s30 =	sld [smem:$0x0];
	_ =	sdelay $0x2  }
0xc0: {  	s31 =	sshll.u32 s1, $0xD;
	s1 =	sshrl.u32 s1, $0x2  }
0xc1: {  	s3 =	sand.u32 $0x4000, s31;
	s1 =	sadd.s32 s1, s30  }
0xc2: {  	s0 =	sor.u32 s3, s0;
	s1 =	sshll.u32 s1, $0x11  }
0xc3: {  	s0 =	sor.u32 s1, s0  }
0xc4: {  	s0 =	sadd.s32 $0x8F2B, s0  }
0xc5: {  	[sflag:s0] =	ssyncadd.remote.s32 $0x1  }
0xc6: {  	_ =	sfence.sel $0xFFFF  }
0xc7: {  	[dreg:$0x0] =	wrdreg $0xFFFFFFFF;
	(pc) =	sbr.abs _section_cstart, $3  }
0xc8: {  	[dreg:$0x1] =	wrdreg $0xFFFFFFFF  }
0xc9: {  	_ =	task.clear_ibuf [dreg:s9], $0x2FFFF;
	_ =	strace $0x9FFFFFFF  }
0xca: {  	(tm) =	ssettm $0x7FFFFFFF  }
0xcb: {  	_ =	shalt  }
tec
execute0_lowered:
.L_overlay_start_1:
0x0: {  	(tag) =	ssettag $0x1  }
0x1: {  	s5 =	rddreg [dreg:$0x0]  }
0x2: {  	s1 =	rddreg [dreg:$0x1]  }
0x3: {  	s2 =	srdreg.scid;
	s3 =	rddreg [dreg:$0x2]  }
0x4: {  	s0 =	stileid.u32;
	s7 =	rddreg [dreg:$0x3];
	s4 =	simm.s32 $0x0  }
0x5: {  	s11 =	simm.s32 $0x4F00;
	s6 =	sand.u32 $0x1, s2;
	s30 =	sshll.u32 s0, $0x1  }
0x6: {  	s12 =	simm.s32 $0x7680;
	s13 =	simm.s32 $0x9E00;
	s2 =	sor.u32 s6, s30  }
0x7: {  	[smem:$0x7FF] =	sst s4;
	s6 =	ssub.s32 $0x2, s6;
	s8 =	smul.u32 $0x4E2, s2  }
0x8: {  	s14 =	simm.s32 $0x0;
	s2 =	rddreg [dreg:$0x4];
	s31 =	sshrl.u32 s6, $0x1  }
0x9: {  	_ =	strace $0x8000004A;
	s10 =	ssub.s32 s6, s31;
	s9 =	sadd.s32 s8, s5  }
0xa: {  	s7 =	sadd.s32 s7, s8;
	s8 =	smax.u32 s10, $0x1;
	s10 =	simm.s32 $0x2780  }
0xb: {  	s5 =	sadd.s32 $0x600, s9;
	s6 =	sadd.s32 $0xA400, s9;
	s9 =	simm.s32 $0x1  }
.LBB2_1:
0xc: {  	[tilespmem:s4], [sflag:$0x1] =	stream.linear.gather [hbm4b:s5+s4], $0x2710, $0x38;
	[tilespmem:$0xC580] =	vst v63  }
0xd: {  	_ =	swait.ge [sflag:s9], $0x2710  }
0xe: {  	[sflag:s9] =	ssyncset.done $0x0  }
0xf: {  	[sflag:s9] =	ssyncadd.s32 $0xFFFFD8F0  }
0x10: {  	[tilespmem:s10], [sflag:$0x1] =	stream.linear.gather [hbm4b:s6+s4], $0x2710, $0x38;
	[tilespmem:$0xC580] =	vst v63  }
0x11: {  	_ =	swait.ge [sflag:s9], $0x2710  }
0x12: {  	[sflag:s9] =	ssyncset.done $0x0  }
0x13: {  	[sflag:s9] =	ssyncadd.s32 $0xFFFFD8F0  }
0x14: {  	[tilespmem:s11], [sflag:$0x1] =	stream.linear.gather [hbm4b:s1+s4], $0x2780, $0x38;
	[tilespmem:$0xC580] =	vst v63  }
0x15: {  	_ =	swait.ge [sflag:s9], $0x2780  }
0x16: {  	[sflag:s9] =	ssyncset.done $0x0  }
0x17: {  	[sflag:s9] =	ssyncadd.s32 $0xFFFFD880  }
0x18: {  	[tilespmem:s12], [sflag:$0x1] =	stream.linear.gather [hbm4b:s3+s4], $0x2780, $0x38;
	[tilespmem:$0xC580] =	vst v63  }
0x19: {  	_ =	swait.ge [sflag:s9], $0x2780  }
0x1a: {  	[sflag:s9] =	ssyncset.done $0x0  }
0x1b: {  	s15 =	simm.s32 $0x0;
	[sflag:s9] =	ssyncadd.s32 $0xFFFFD880  }
0x1c: {  	v0 =	vld [tilespmem:s15+$0x2780]  }
0x1d: {  	v1 =	vld [tilespmem:s15+$0x0];
	_ =	sdelay $0x6  }
0x1e: {  	v0 =	vld.idx.msk [tilespmem:v0+s11+$0x0], $0xffff  }
0x1f: {  	v2 =	vld.idx.msk [tilespmem:v1+s11+$0x0], $0xffff  }
0x20: {  	s16 =	simm.s32 $0x10;
	v3 =	vld.idx.msk [tilespmem:v1+s12+$0x0], $0xffff  }
0x21: {  	s17 =	simm.s32 $0x80;
	v1 =	vld [tilespmem:s16+$0x2780]  }
.LBB2_2:
0x22: {  	p0 =	sne.s32 s17, $0x9C00;
	v4 =	vld [tilespmem:s16+$0x0];
	_ =	sdelay $0x1  }
0x23: {  	v0 =	vmul.f32 v0, v2;
	_ =	sdelay $0x1  }
0x24: {  	v0 =	vmul.f32 v3, v0;
	_ =	sdelay $0x1  }
0x25: {  	[tilespmem:s15+$0x9E00] =	vst v0;
	s15 =	smov.u32 s16  }
.Ltmp0:
0x26: {  	v0 =	vld.idx.msk [tilespmem:v1+s11+$0x0], $0xffff;
	(pc) =	sbr.rel @p0 .LBB2_2-.Ltmp0, $3  }
0x27: {  	v2 =	vld.idx.msk [tilespmem:v4+s11+$0x0], $0xffff;
	_ =	sdelay $0x1  }
0x28: {  	s16 =	sshra.s32 s17, $0x2;
	v3 =	vld.idx.msk [tilespmem:v4+s12+$0x0], $0xffff  }
0x29: {  	s17 =	sadd.s32 $0x40, s17;
	v1 =	vld [tilespmem:s16+$0x2780]  }
0x2a: {  	_ = 	snop  }
0x2b: {  	v4 =	vld [tilespmem:s16+$0x0];
	_ =	sdelay $0x1  }
0x2c: {  	v0 =	vmul.f32 v0, v2;
	_ =	sdelay $0x1  }
0x2d: {  	v0 =	vmul.f32 v3, v0;
	_ =	sdelay $0x1  }
0x2e: {  	[tilespmem:s15+$0x9E00] =	vst v0  }
0x2f: {  	v0 =	vld.idx.msk [tilespmem:v1+s11+$0x0], $0xffff  }
0x30: {  	v62 =	vld.idx.msk [tilespmem:v4+s11+$0x0], $0xffff;
	_ =	sdelay $0x1  }
0x31: {  	v63 =	vld.idx.msk [tilespmem:v4+s12+$0x0], $0xffff;
	_ =	sdelay $0x2  }
0x32: {  	v0 =	vmul.f32 v0, v62;
	_ =	sdelay $0x1  }
0x33: {  	s14 =	sadd.s32 $0x1, s14;
	v0 =	vmul.f32 v63, v0  }
0x34: {  	p0 =	sne.s32 s14, s8  }
.Ltmp1:
0x35: {  	[tilespmem:s16+$0x9E00] =	vst v0;
	(pc) =	sbr.rel @p0 .LBB2_1-.Ltmp1, $4  }
0x36: {  	[hbm4b:s7+s4] =	stream.linear.scatter [tilespmem:s13], [sflag:$0x1], $0x2710, $0x38;
	[tilespmem:$0xC580] =	vst v63  }
0x37: {  	_ =	swait.ge [sflag:s9], $0x2710  }
0x38: {  	[sflag:s9] =	ssyncset.done $0x0  }
0x39: {  	[sflag:s9] =	ssyncadd.s32 $0xFFFFD8F0  }
0x3a: {  	_ =	sfence.sel $0x180000  }
0x3b: {  	[bflag:$0x0] =	sbarrier.arrive $0xFFFF  }
0x3c: {  	p0 =	sne.s32 s0, $0x0;
	_ =	strace $0x9000004A  }
0x3d: {  	s0 =	sadd.s32 @!p0 $0x100000, s2;
	[bflag:$0x2] =	sbarrier.arrive $0xFFFF  }
0x3e: {  	[sflag:s0] =	ssyncadd.tile.s32 @!p0 $0x1;
	_ =	shalt  }
.Lfunc_end2:
_tile_overlayer_lowered:
.L_overlay_start_2:
0x3f: {  	(tag) =	ssettag $0x2  }
0x40: {  	s0 =	rddreg [dreg:$0x0];
	s2 =	stileid.u32  }
0x41: {  	s1 =	rddreg [dreg:$0x1];
	p0 =	sne.s32 s2, $0x0  }
0x42: {  	s3 =	rddreg [dreg:$0x2];
	[bflag:$0x3] =	sbarrier.arrive $0xFFFF;
	s2 =	simm.s32 @!p0 $0x1C01  }
0x43: {  	[timem:s3], [sflag:s2] =	dma.local @!p0 [hbm:s0], s1  }
0x44: {  	s0 =	simm.s32 @!p0 $0x1  }
0x45: {  	_ =	swait.ge @!p0 [sflag:s0], s1  }
0x46: {  	s1 =	ssub.s32 @!p0 $0x0, s1;
	[sflag:s0] =	ssyncset.done @!p0 $0x0  }
0x47: {  	[sflag:s0] =	ssyncadd.s32 @!p0 s1  }
0x48: {  	[bflag:$0x3] =	sbarrier.arrive $0xFFFF  }
0x49: {  	_ =	shalt  }

// kernel: kernel.15.cloned.1.call-start
scs
__scs_entry_jumppad:
0x0: {  	(pc) =	sbr.rel $0x88, $3  }
0x1: {  	(tag) =	ssettag $0x0;
	lr =	simm.s32 $0x1  }
0x2: {  	[smem:$0x3F9D] =	sst lr;
	_ =	strace $0xD0000000  }
0x3: {  	_ = 	snop  }
0x4: {  	_ = 	snop  }
0x5: {  	_ = 	snop  }
0x6: {  	_ = 	snop  }
0x7: {  	_ = 	snop  }
__scs_overlays_trampoline_lowered:
0x8: {  	[smem:$0x3FAC] =	sst s0  }
0x9: {  	[smem:$0x3FAD] =	sst s1  }
0xa: {  	[smem:$0x3FAE] =	sst s2  }
0xb: {  	[smem:$0x3FAF] =	sst s3  }
0xc: {  	[smem:$0x3FB0] =	sst s4  }
0xd: {  	[smem:$0x3FB1] =	sst s5  }
0xe: {  	[smem:$0x3FB2] =	sst s6  }
0xf: {  	[smem:$0x3FB3] =	sst s7  }
0x10: {  	[smem:$0x3FB4] =	sst s8  }
0x11: {  	[smem:$0x3FB5] =	sst s9;
	s0 =	simm.s32 @!p0 $0x0  }
0x12: {  	s1 =	sld [smem:$0x3F9B];
	s0 =	simm.s32 @p0 $0x1  }
0x13: {  	[smem:$0x3FB6] =	sst s0;
	s0 =	simm.s32 @!p1 $0x0  }
0x14: {  	s2 =	sld [smem:$0x3F9A];
	s0 =	simm.s32 @p1 $0x1  }
0x15: {  	[smem:$0x3FB7] =	sst s0;
	s0 =	simm.s32 @!p2 $0x0  }
0x16: {  	s3 =	sld [smem:$0x3FDB];
	s0 =	simm.s32 @p2 $0x1  }
0x17: {  	s4 =	simm.s32 $0x1BF5;
	[smem:$0x3FB9] =	sst s0  }
0x18: {  	s0 =	sld [smem:$0x3F9C];
	_ =	swait.ge [sflag:s4], $0x0  }
0x19: {  	s7 =	sld [smem:$0x3F9D]  }
0x1a: {  	s8 =	sadd.s32 $0xFFFFE003, lr  }
0x1b: {  	s9 =	sadd.s32 $0xFFFFFEF7, lr;
	s5 =	simm.s32 $0xFFFFFFFF;
	p2 =	slt.u32 s8, $0xFFFFF086  }
0x1c: {  	p1 =	slt.u32 s9, $0xF7A;
	s5 =	simm.s32 @!p2 $0x0  }
0x1d: {  	s5 =	simm.s32 @p1 $0x1;
	p0 =	seq.s32 s7, s2  }
0x1e: {  	s7 =	smul.u32 @!p0 $0xF7A, s2;
	p2 =	seq.s32 @!p0 s5, $0x0  }
0x1f: {  	s9 =	smul.u32 $0xF7A, s1;
	s8 =	simm.s32 @!p0 $0x1BF5;
	p2 =	por !p2, p0  }
0x20: {  	[sflag:s8] =	ssyncset.s32 @!p0 $0xFFFFF086;
	s6 =	sadd.s32 @!p0 s3, s7;
	s7 =	simm.s32 @!p0 $0x108  }
0x21: {  	s3 =	sadd.s32 s3, s9;
	s6 =	sadd.s32 @!p0 $0x88, s6;
	s7 =	simm.s32 @p2 $0x1082  }
0x22: {  	[simem:s7], [sflag:s8] =	dma.local @!p0 [hbm:s6], $0xF7A  }
0x23: {  	s9 =	sor.u32 $0xD0000000, s2;
	s6 =	simm.s32 $0x108;
	_ =	swait.ge @!p0 [sflag:s8], $0x0  }
0x24: {  	s3 =	sadd.s32 $0x88, s3;
	s6 =	simm.s32 @!p1 $0x1082;
	[sflag:s4] =	ssyncset.s32 $0xFFFFF086  }
0x25: {  	[simem:s6], [sflag:s4] =	dma.local [hbm:s3], $0xF7A  }
0x26: {  	[smem:$0x3F9D] =	sst s1;
	(tag) =	ssettag s2;
	_ =	strace s9  }
0x27: {  	s1 =	sld [smem:$0x3FAD]  }
0x28: {  	s2 =	sld [smem:$0x3FAE]  }
0x29: {  	s4 =	sld [smem:$0x3FB0]  }
0x2a: {  	p0 =	seq.s32 s5, $0x0;
	s5 =	sld [smem:$0x3FB1]  }
0x2b: {  	s6 =	sld [smem:$0x3FB2]  }
0x2c: {  	s7 =	sld [smem:$0x3FB3]  }
0x2d: {  	s3 =	simm.s32 $0x108;
	s8 =	sld [smem:$0x3FB4]  }
0x2e: {  	s3 =	simm.s32 @!p0 $0x1082;
	s9 =	sld [smem:$0x3FB5]  }
0x2f: {  	lr =	sadd.s32 s0, s3;
	s0 =	sld [smem:$0x3FAC]  }
0x30: {  	s3 =	sld [smem:$0x3FAF]  }
0x31: {  	[smem:$0x3FB8] =	sst s10  }
0x32: {  	s10 =	sld [smem:$0x3FB6];
	_ =	sdelay $0x3  }
0x33: {  	p0 =	seq.s32 s10, $0x1;
	s10 =	sld [smem:$0x3FB8];
	_ =	sdelay $0x3  }
0x34: {  	[smem:$0x3FB8] =	sst s10  }
0x35: {  	s10 =	sld [smem:$0x3FB7];
	_ =	sdelay $0x3  }
0x36: {  	p1 =	seq.s32 s10, $0x1;
	s10 =	sld [smem:$0x3FB8];
	_ =	sdelay $0x3  }
0x37: {  	[smem:$0x3FB8] =	sst s10  }
0x38: {  	s10 =	sld [smem:$0x3FB9]  }
0x39: {  	_ = 	snop;
	(pc) =	sbr.ind lr, $3  }
0x3a: {  	_ = 	snop  }
0x3b: {  	_ = 	snop  }
0x3c: {  	p2 =	seq.s32 s10, $0x1;
	s10 =	sld [smem:$0x3FB8]  }
0x3d: {  	_ =	shalt  }
0x3e: {  	_ =	shalt  }
0x3f: {  	_ =	shalt  }
0x40: {  	_ =	shalt  }
0x41: {  	_ =	shalt  }
0x42: {  	_ =	shalt  }
0x43: {  	_ =	shalt  }
0x44: {  	_ =	shalt  }
0x45: {  	_ =	shalt  }
0x46: {  	_ =	shalt  }
0x47: {  	_ =	shalt  }
0x48: {  	_ =	shalt  }
0x49: {  	_ =	shalt  }
0x4a: {  	_ =	shalt  }
0x4b: {  	_ =	shalt  }
0x4c: {  	_ =	shalt  }
0x4d: {  	_ =	shalt  }
0x4e: {  	_ =	shalt  }
0x4f: {  	_ =	shalt  }
0x50: {  	_ =	shalt  }
0x51: {  	_ =	shalt  }
0x52: {  	_ =	shalt  }
0x53: {  	_ =	shalt  }
0x54: {  	_ =	shalt  }
0x55: {  	_ =	shalt  }
0x56: {  	_ =	shalt  }
0x57: {  	_ =	shalt  }
0x58: {  	_ =	shalt  }
0x59: {  	_ =	shalt  }
0x5a: {  	_ =	shalt  }
0x5b: {  	_ =	shalt  }
0x5c: {  	_ =	shalt  }
0x5d: {  	_ =	shalt  }
0x5e: {  	_ =	shalt  }
0x5f: {  	_ =	shalt  }
0x60: {  	_ =	shalt  }
0x61: {  	_ =	shalt  }
0x62: {  	_ =	shalt  }
0x63: {  	_ =	shalt  }
0x64: {  	_ =	shalt  }
0x65: {  	_ =	shalt  }
0x66: {  	_ =	shalt  }
0x67: {  	_ =	shalt  }
0x68: {  	_ =	shalt  }
0x69: {  	_ =	shalt  }
0x6a: {  	_ =	shalt  }
0x6b: {  	_ =	shalt  }
0x6c: {  	_ =	shalt  }
0x6d: {  	_ =	shalt  }
0x6e: {  	_ =	shalt  }
0x6f: {  	_ =	shalt  }
0x70: {  	_ =	shalt  }
0x71: {  	_ =	shalt  }
0x72: {  	_ =	shalt  }
0x73: {  	_ =	shalt  }
0x74: {  	_ =	shalt  }
0x75: {  	_ =	shalt  }
0x76: {  	_ =	shalt  }
0x77: {  	_ =	shalt  }
0x78: {  	_ =	shalt  }
0x79: {  	_ =	shalt  }
0x7a: {  	_ =	shalt  }
0x7b: {  	_ =	shalt  }
0x7c: {  	_ =	shalt  }
0x7d: {  	_ =	shalt  }
0x7e: {  	_ =	shalt  }
0x7f: {  	_ =	shalt  }
0x80: {  	_ =	shalt  }
0x81: {  	_ =	shalt  }
0x82: {  	_ =	shalt  }
0x83: {  	_ =	shalt  }
0x84: {  	_ =	shalt  }
0x85: {  	_ =	shalt  }
0x86: {  	_ =	shalt  }
0x87: {  	_ =	shalt  }
.Lfunc_end0:
.L_simem_size_0:
called_computation.2_lowered:
.L_overlay_start_0:
0x88: {  	s2 =	sld [smem:$0x3FD9]  }
0x89: {  	s3 =	sld [smem:$0x3FFE];
	_ =	sdelay $0x1  }
0x8a: {  	s1 =	srdreg.scid  }
0x8b: {  	s0 =	sand.u32 $0x1, s1  }
0x8c: {  	s15 =	sshll.u32 s0, $0xA;
	s2 =	sadd.s32 s3, s2  }
0x8d: {  	s2 =	sadd.s32 s2, s15  }
0x8e: {  	[smem:$0x3FC4] =	sst s2  }
0x8f: {  	_ = 	snop  }
0x90: {  	s2 =	sld [smem:$0x3FD0];
	_ =	sdelay $0x2  }
0x91: {  	s16 =	simm.s32 $0xA;
	s4 =	simm.s32 $0x10  }
0x92: {  	[smem:s4], [sflag:s16] =	dma.local [hbm:s2], $0x1  }
0x93: {  	_ =	swait.eq [sflag:s16], $0x1  }
0x94: {  	s17 =	sld [smem:$0x10];
	[sflag:s16] =	ssyncset.done $0x0  }
0x95: {  	s18 =	sld [smem:$0x11];
	[sflag:s16] =	ssyncadd.s32 $0xFFFFFFFF  }
0x96: {  	s19 =	sld [smem:$0x13];
	(tm) =	ssettm $0x1  }
0x97: {  	s5 =	sld [smem:$0x3FFB];
	_ =	sdelay $0x3  }
0x98: {  	_ =	strace s5  }
0x99: {  	s5 =	sld [smem:$0x3FFC];
	_ =	sdelay $0x3  }
0x9a: {  	_ =	strace s5  }
0x9b: {  	s5 =	sld [smem:$0x3FFD];
	_ =	sdelay $0x3  }
0x9c: {  	_ =	strace s5  }
0x9d: {  	_ =	strace $0x8FFFFFFF  }
0x9e: {  	s20 =	sld [smem:$0x3FDB];
	_ =	sdelay $0x1  }
0x9f: {  	s6 =	simm.s32 $_scs_section_size  }
0xa0: {  	s7 =	simm.s32 $_size__tile_overlayer_lowered;
	s8 =	simm.s32 $_tile_overlayer_lowered  }
0xa1: {  	s23 =	simm.s32 $0x1BFF;
	s22 =	sshll.u32 s8, $0x1;
	s5 =	sadd.s32 s6, s20  }
0xa2: {  	s9 =	simm.s32 $0x0;
	s21 =	sshll.u32 s7, $0x1;
	s7 =	sadd.s32 s22, s5  }
0xa3: {  	[timem:s9], [sflag:s23] =	dma.local [hbm:s7], s21  }
0xa4: {  	_ =	swait.ge [sflag:s23], s21  }
0xa5: {  	s6 =	ssub.s32 $0x0, s21;
	[sflag:s23] =	ssyncset.done $0x0  }
0xa6: {  	[sflag:s23] =	ssyncadd.s32 s6;
	_ =	sdelay $0x1  }
0xa7: {  	s24 =	simm.s32 $0x1B8B  }
0xa8: {  	_ =	swait.ge [sflag:s24], $0x1  }
0xa9: {  	[sflag:s24] =	ssyncset.done $0x0  }
0xaa: {  	s25 =	simm.s32 $0x1B8E;
	[sflag:s24] =	ssyncadd.s32 $0xFFFFFFFF  }
0xab: {  	s26 =	simm.s32 $execute0_lowered;
	[smem:$0x3FD2] =	sst s25  }
0xac: {  	s6 =	sshll.u32 s26, $0x1;
	_ =	strace $0x8000004C;
	[dreg:$0x1] =	wrdreg $0xFFFFFFFF  }
0xad: {  	s28 =	simm.s32 $_size_execute0_lowered;
	s5 =	sadd.s32 s5, s6;
	[dreg:$0x0] =	wrdreg $0x0  }
0xae: {  	s6 =	sshll.u32 s28, $0x1;
	[dreg:$0x2] =	wrdreg s5  }
0xaf: {  	[dreg:$0x3] =	wrdreg s6  }
0xb0: {  	[dreg:$0x4] =	wrdreg $0xC0  }
0xb1: {  	_ =	task [dreg:s9], $0x5FFFF  }
0xb2: {  	[dreg:$0x1] =	wrdreg $0xFFFFFFFF  }
0xb3: {  	[dreg:$0x0] =	wrdreg $0x60  }
0xb4: {  	[dreg:$0x2] =	wrdreg s18  }
0xb5: {  	[dreg:$0x3] =	wrdreg s17  }
0xb6: {  	[dreg:$0x4] =	wrdreg s19  }
0xb7: {  	[dreg:$0x5] =	wrdreg $0x134000  }
0xb8: {  	[dreg:$0x6] =	wrdreg $0x9  }
0xb9: {  	_ =	task.clear_ibuf [dreg:s9], $0x7FFFF;
	_ =	strace $0x9000004C  }
0xba: {  	s29 =	simm.s32 $0x9;
	_ =	strace $0x8000004E  }
0xbb: {  	_ =	swait.ge [sflag:s29], $0x1  }
0xbc: {  	[sflag:s29] =	ssyncadd.s32 $0xFFFFFFFF  }
0xbd: {  	_ =	strace $0x9000004E  }
0xbe: {  	_ =	sfence  }
0xbf: {  	s30 =	sld [smem:$0x0];
	_ =	sdelay $0x2  }
0xc0: {  	s31 =	sshll.u32 s1, $0xD;
	s1 =	sshrl.u32 s1, $0x2  }
0xc1: {  	s3 =	sand.u32 $0x4000, s31;
	s1 =	sadd.s32 s1, s30  }
0xc2: {  	s0 =	sor.u32 s3, s0;
	s1 =	sshll.u32 s1, $0x11  }
0xc3: {  	s0 =	sor.u32 s1, s0  }
0xc4: {  	s0 =	sadd.s32 $0x8F2B, s0  }
0xc5: {  	[sflag:s0] =	ssyncadd.remote.s32 $0x1  }
0xc6: {  	_ =	sfence.sel $0xFFFF  }
0xc7: {  	[dreg:$0x0] =	wrdreg $0xFFFFFFFF;
	(pc) =	sbr.abs _section_cstart, $3  }
0xc8: {  	[dreg:$0x1] =	wrdreg $0xFFFFFFFF  }
0xc9: {  	_ =	task.clear_ibuf [dreg:s9], $0x2FFFF;
	_ =	strace $0x9FFFFFFF  }
0xca: {  	(tm) =	ssettm $0x7FFFFFFF  }
0xcb: {  	_ =	shalt  }
tec
execute0_lowered:
.L_overlay_start_1:
0x0: {  	(tag) =	ssettag $0x1  }
0x1: {  	s3 =	srdreg.scid  }
0x2: {  	s3 =	sand.u32 $0x1, s3  }
0x3: {  	s5 =	rddreg [dreg:$0x0];
	p1 =	seq.s32 s3, $0x1  }
.Ltmp0:
0x4: {  	s6 =	rddreg [dreg:$0x1];
	(pc) =	sbr.rel @p1 .LBB2_17-.Ltmp0, $4  }
0x5: {  	s1 =	rddreg [dreg:$0x2]  }
0x6: {  	s2 =	rddreg [dreg:$0x3];
	s4 =	simm.s32 $0x0  }
0x7: {  	[smem:$0x7FF] =	sst s4;
	s4 =	stileid.u32  }
0x8: {  	s0 =	rddreg [dreg:$0x4];
	_ =	strace $0x8000004D;
	p0 =	sne.s32 s4, $0x0  }
0x9: {  	s3 =	smul.u32 $0x3, s4  }
0xa: {  	s7 =	smin.u32 s4, $0x7  }
0xb: {  	s3 =	sadd.s32 s7, s3  }
0xc: {  	p1 =	slt.u32 s4, $0x7;
	s7 =	smul.u32 $0x1770, s3;
	s3 =	simm.s32 $0x5DC0  }
0xd: {  	s3 =	simm.s32 @!p1 $0x4650  }
.Ltmp1:
0xe: {  	s3 =	sadd.s32 s3, s7;
	(pc) =	sbr.rel @p0 .LBB2_5-.Ltmp1, $4  }
0xf: {  	s8 =	smin.u32 s7, $0x4AB50;
	s3 =	smin.u32 s3, $0x50910  }
0x10: {  	s10 =	sshrl.u32 s8, $0x3;
	s3 =	ssub.s32 s3, s7;
	s7 =	sshrl.u32 s7, $0x3  }
0x11: {  	s10 =	sadd.s32 $0x8CA, s10;
	s9 =	sadd.s32 s5, s7;
	s8 =	sadd.s32 s6, s7  }
0x12: {  	s7 =	sadd.s32 s5, s10;
	s6 =	sadd.s32 s6, s10;
	s5 =	sadd.s32 $0xFFFFFFFF, s3  }
0x13: {  	v0 =	vimm.f32 $0.0e+00;
	s10 =	simm.s32 $0x40;
	s11 =	simm.s32 $0x0  }
.LBB2_3:
0x14: {  	p1 =	sne.s32 s10, $0x9FC0;
	[tilespmem:s11+$0xE400] =	vst v0;
	s11 =	smov.u32 s10;
	s10 =	sadd.s32 $0x40, s10  }
.Ltmp2:
0x15: {  	(pc) =	sbr.rel @p1 .LBB2_3-.Ltmp2, $2  }
0x16: {  	_ =	sdelay $0x2  }
0x17: {  	s11 =	sshra.s32 s11, $0x2  }
0x18: {  	[tilespmem:s11+$0xE400] =	vst v0;
	s10 =	simm.s32 $0xE400;
	s31 =	simm.s32 $0x1  }
0x19: {  	[spmem:s2] =	stream.linear.scatter [tilespmem:s10], [sflag:$0x1], $0x2800, $0x38;
	[tilespmem:$0x13680] =	vst v63  }
0x1a: {  	_ =	swait.ge [sflag:s31], $0x2800  }
0x1b: {  	[sflag:s31] =	ssyncset.done $0x0  }
0x1c: {  	[sflag:s31] =	ssyncadd.s32 $0xFFFFD800  }
.LBB2_5:
0x1d: {  	[bflag:$0x0] =	sbarrier.arrive $0xFFFF;
	s10 =	simm.s32 $0x0;
	s31 =	simm.s32 $0x1  }
0x1e: {  	[tilespmem:s10], [sflag:$0x1] =	stream.linear.gather [hbm4b:s9+s10], $0x4650, $0x38;
	[tilespmem:$0x13680] =	vst v63  }
0x1f: {  	_ =	swait.ge [sflag:s31], $0x4650  }
0x20: {  	[sflag:s31] =	ssyncset.done $0x0  }
0x21: {  	s11 =	simm.s32 $0x5E00;
	[sflag:s31] =	ssyncadd.s32 $0xFFFFB9B0  }
0x22: {  	[tilespmem:s11], [sflag:$0x1] =	stream.linear.gather [hbm4b:s8+s10], $0x4650, $0x38;
	[tilespmem:$0x13680] =	vst v63  }
0x23: {  	_ =	swait.ge [sflag:s31], $0x4650  }
0x24: {  	p1 =	sgt.u32 s4, $0x6;
	[sflag:s31] =	ssyncset.done $0x0  }
0x25: {  	s4 =	simm.s32 @!p1 $0x0;
	s8 =	simm.s32 @!p1 $0x4650;
	[sflag:s31] =	ssyncadd.s32 $0xFFFFB9B0  }
0x26: {  	[tilespmem:s8], [sflag:$0x1] =	stream.linear.gather @!p1 [hbm4b:s7+s4], $0x1770, $0x38;
	[tilespmem:$0x13680] =	vst v63  }
0x27: {  	s7 =	simm.s32 @!p1 $0x1  }
0x28: {  	_ =	swait.ge @!p1 [sflag:s7], $0x1770  }
0x29: {  	[sflag:s7] =	ssyncset.done @!p1 $0x0  }
0x2a: {  	s8 =	simm.s32 @!p1 $0xA450;
	[sflag:s7] =	ssyncadd.s32 @!p1 $0xFFFFE890  }
0x2b: {  	[tilespmem:s8], [sflag:$0x1] =	stream.linear.gather @!p1 [hbm4b:s6+s4], $0x1770, $0x38;
	[tilespmem:$0x13680] =	vst v63  }
0x2c: {  	_ =	swait.ge @!p1 [sflag:s7], $0x1770  }
0x2d: {  	v0 =	vmov s5;
	s5 =	simm.s32 $0x0;
	[sflag:s7] =	ssyncset.done @!p1 $0x0  }
0x2e: {  	v1 =	vimm.f32 $0.0e+00;
	s4 =	sshra.s32 s3, $0x4;
	s6 =	simm.s32 $0x40;
	[sflag:s7] =	ssyncadd.s32 @!p1 $0xFFFFE890  }
.LBB2_6:
0x2f: {  	p1 =	sne.s32 s6, $0x9FC0;
	[tilespmem:s5+$0xBC00] =	vst v1;
	s5 =	smov.u32 s6;
	s6 =	sadd.s32 $0x40, s6  }
.Ltmp3:
0x30: {  	(pc) =	sbr.rel @p1 .LBB2_6-.Ltmp3, $2  }
0x31: {  	_ =	sdelay $0x2  }
0x32: {  	s5 =	sshra.s32 s5, $0x2  }
0x33: {  	p1 =	slt.s32 s4, $0x1  }
0x34: {  	v2 =	vimm.s32 @!p1 $0xEDCBA987  }
0x35: {  	v3 =	vimm.s32 @!p1 $0x65432100;
	v2 =	vunpack.c.l.s4.s8 @!p1 v2  }
0x36: {  	v3 =	vunpack.c.l.s4.s8 @!p1 v3  }
0x37: {  	v2 =	vunpack.c.0.s8.s32 @!p1 v2  }
0x38: {  	v3 =	vunpack.c.0.s8.s32 @!p1 v3  }
0x39: {  	v2 =	vand.u32 @!p1 $0xF, v2  }
0x3a: {  	v2 =	vcombine.low @!p1 v3, v2;
	_ =	sdelay $0x2  }
0x3b: {  	[tilespmem:s5+$0xBC00] =	vst v1  }
0x3c: {  	v4 =	vld @!p1 [tilespmem:$0x5E00];
	v5 =	vimm.s32 @!p1 $0xDCBA9876  }
0x3d: {  	v1 =	vld @!p1 [tilespmem:$0x0];
	s5 =	simm.s32 @!p1 $0x0;
	v7 =	vimm.s32 @!p1 $0x54321000;
	v5 =	vunpack.c.l.s4.s8 @!p1 v5  }
0x3e: {  	v7 =	vunpack.c.l.s4.s8 @!p1 v7;
	v3 =	vld.idx.msk @!p1 [tilespmem:v2+s5+$0x0], $0xffff  }
0x3f: {  	vm0 =	vmmov @!p1 $0x1;
	v5 =	vunpack.c.0.s8.s32 @!p1 v5  }
0x40: {  	v6 =	vimm.s32 @!p1 $0x0;
	vm2 =	vcmask @!p1 $0x3F04;
	v7 =	vunpack.c.0.s8.s32 @!p1 v7  }
0x41: {  	v9 =	vimm.s32 @!p1 $0xBA987654;
	v4 =	vadd.f32 @!p1 $0.0e+00, v4;
	v5 =	vand.u32 @!p1 $0xF, v5  }
0x42: {  	v10 =	vimm.s32 @!p1 $0x87654321;
	v9 =	vunpack.c.l.s4.s8 @!p1 v9;
	v5 =	vcombine.low @!p1 v7, v5  }
0x43: {  	v7 =	vimm.s32 @!p1 $0x32100000;
	v8 =	vperm.xlane @!p1 v4, v2;
	vm1 =	vne.s32 @!p1 v1, v3  }
0x44: {  	v9 =	vunpack.c.0.s8.s32 @!p1 v9;
	v7 =	vunpack.c.l.s4.s8 @!p1 v7;
	vm1 =	vmor @!p1 vm1, vm0  }
0x45: {  	v8 =	vadd.f32 @!p1 v4, v8;
	v6 =	vsel @!p1 vm1, $0x1, v6;
	vm1 =	vmneg @!p1 vm1  }
0x46: {  	v11 =	vimm.s32 @!p1 $0xE40000;
	v7 =	vunpack.c.0.s8.s32 @!p1 v7;
	vm1 =	vmand @!p1 vm1, vm2  }
0x47: {  	v9 =	vand.u32 @!p1 $0xF, v9;
	v2 =	vperm.xlane @!p1 v6, v2;
	v4 =	vsel @!p1 vm1, v8, v4  }
0x48: {  	v7 =	vcombine.low @!p1 v7, v9;
	v9 =	vimm.s32 @!p1 $0xFFEDCBA9;
	v8 =	vperm.xlane @!p1 v4, v5  }
0x49: {  	v10 =	vunpack.c.l.s4.s8 @!p1 v10;
	v9 =	vunpack.c.l.s4.s8 @!p1 v9;
	v2 =	vsel @!p1 vm1, v2, v6  }
0x4a: {  	vm2 =	vcmask @!p1 $0x3F08;
	vm1 =	veq.s32 @!p1 v2, $0x0;
	v8 =	vadd.f32 @!p1 v4, v8  }
0x4b: {  	v11 =	vunpack.c.l.s2.s4 @!p1 v11;
	v5 =	vperm.xlane @!p1 v2, v5;
	vm1 =	vmand @!p1 vm1, vm2  }
0x4c: {  	v4 =	vsel @!p1 vm1, v8, v4;
	v8 =	vunpack.c.0.s8.s32 @!p1 v9;
	v9 =	vunpack.c.0.s8.s32 @!p1 v10  }
0x4d: {  	v2 =	vsel @!p1 vm1, v5, v2;
	v10 =	vunpack.c.l.s4.s8 @!p1 v11;
	v5 =	vperm.xlane @!p1 v4, v7  }
0x4e: {  	vm2 =	vcmask @!p1 $0x3F10;
	vm1 =	veq.s32 @!p1 v2, $0x0;
	v8 =	vcombine.low @!p1 v9, v8  }
0x4f: {  	v9 =	vimm.s32 @!p1 $0x7060504;
	v10 =	vunpack.c.0.s8.s32 @!p1 v10;
	v5 =	vadd.f32 @!p1 v4, v5  }
0x50: {  	vm1 =	vmand @!p1 vm1, vm2;
	v6 =	vperm.xlane @!p1 v6, v8;
	v8 =	vunpack.c.0.s8.s32 @!p1 v9  }
0x51: {  	vm2 =	vcmask @!p1 $0x3F30;
	v4 =	vsel @!p1 vm1, v5, v4;
	v5 =	vand.u32 @!p1 $0x3, v10  }
0x52: {  	v5 =	vsel @!p1 vm2, v8, v5;
	vm2 =	veq.s32 @!p1 v6, $0x1;
	v6 =	vperm.xlane @!p1 v2, v7  }
0x53: {  	vm3 =	vmxor @!p1 vm3, vm3;
	vm4 =	vmmov @!p1 $0x7fff;
	v5 =	vperm.xlane @!p1 v4, v5  }
0x54: {  	p2 =	seq.s32 @!p1 s3, $0x10;
	v2 =	vsel @!p1 vm1, v6, v2;
	vm1 =	vmand @!p1 vm2, vm4  }
0x55: {  	p2 =	por p1, p2;
	vm4 =	vcmask @!p1 $0x3F20;
	vm2 =	veq.s32 @!p1 v2, $0x0;
	v2 =	vadd.f32 @!p1 v4, v5  }
.Ltmp4:
0x56: {  	vm2 =	vmand @!p1 vm2, vm4;
	(pc) =	sbr.rel @!p2 .LBB2_9-.Ltmp4, $4  }
0x57: {  	v2 =	vsel @!p1 vm2, v2, v4;
	v4 =	vimm.s32 @!p1 $0xF  }
0x58: {  	s3 =	simm.s32 @!p1 $0xBC00;
	v5 =	vimm.f32 @!p1 $0.0e+00;
	v4 =	vperm.xlane @!p1 v2, v4  }
0x59: {  	[tilespmem:v3+s3+$0x0] =	vst.idx.add.f32.msk @!p1 vm3, v5  }
0x5a: {  	[tilespmem:v1+s3+$0x0] =	vst.idx.add.f32.msk @!p1 vm1, v2;
	v1 =	vnsel @!p1 vm0, $0x0, v4  }
.Ltmp5:
0x5b: {  	(pc) =	sbr.rel .LBB2_14-.Ltmp5, $2  }
0x5c: {  	_ =	sdelay $0x2  }
0x5d: {  	v1 =	vpsel p1, $0x0, v1  }
.LBB2_9:
0x5e: {  	v2 =	vimm.s32 $0xEDCBA987;
	v3 =	vimm.s32 $0x65432100;
	v4 =	vlaneseq.u32  }
0x5f: {  	v5 =	vimm.s32 $0xDCBA9876;
	v6 =	vimm.s32 $0x54321000;
	v2 =	vunpack.c.l.s4.s8 v2  }
0x60: {  	vm0 =	vmmov $0x1;
	v8 =	vimm.s32 $0xE40000;
	v3 =	vunpack.c.l.s4.s8 v3  }
0x61: {  	vm2 =	vcmask $0x3F04;
	v7 =	vunpack.c.l.s4.s8 v5;
	v2 =	vunpack.c.0.s8.s32 v2  }
0x62: {  	v9 =	vadd.s32 $0xFFFFFFFF, v4;
	v4 =	vunpack.c.l.s4.s8 v6;
	v3 =	vunpack.c.0.s8.s32 v3  }
0x63: {  	vm1 =	vcmask $0x3F08;
	v6 =	vunpack.c.0.s8.s32 v7;
	v2 =	vand.u32 $0xF, v2  }
0x64: {  	v7 =	vimm.s32 $0xBA987654;
	v2 =	vcombine.low v3, v2;
	v3 =	vunpack.c.0.s8.s32 v4  }
0x65: {  	v7 =	vunpack.c.l.s4.s8 v7;
	v4 =	vand.u32 $0xF, v6;
	v6 =	vimm.s32 $0x32100000  }
0x66: {  	v6 =	vunpack.c.l.s4.s8 v6;
	v3 =	vcombine.low v3, v4;
	v4 =	vunpack.c.l.s2.s4 v8  }
0x67: {  	v10 =	vimm.s32 $0x87654321;
	vm4 =	vcmask $0x3F10;
	v7 =	vunpack.c.0.s8.s32 v7  }
0x68: {  	s7 =	sadd.s32 $0xFFFFFFFF, s4;
	v6 =	vunpack.c.0.s8.s32 v6;
	v8 =	vunpack.c.l.s4.s8 v4;
	v4 =	vimm.s32 $0xFFEDCBA9  }
0x69: {  	v10 =	vunpack.c.l.s4.s8 v10;
	p2 =	sne.s32 s7, $0x1;
	v7 =	vand.u32 $0xF, v7;
	v11 =	vunpack.c.l.s4.s8 v4  }
.Ltmp6:
0x6a: {  	v4 =	vcombine.low v6, v7;
	v6 =	vimm.s32 $0x7060504;
	v7 =	vunpack.c.0.s8.s32 v8;
	(pc) =	sbr.rel @!p2 .LBB2_10-.Ltmp6, $4  }
0x6b: {  	vm3 =	vcmask $0x3F30;
	vm5 =	vmmov $0x7fff;
	v6 =	vunpack.c.0.s8.s32 v6  }
0x6c: {  	s5 =	simm.s32 $0x10;
	v10 =	vunpack.c.0.s8.s32 v10;
	v8 =	vunpack.c.0.s8.s32 v11;
	v7 =	vand.u32 $0x3, v7  }
0x6d: {  	s4 =	simm.s32 $0x5E10;
	s6 =	simm.s32 $0x0;
	v5 =	vimm.s32 $0x0;
	v13 =	vadd.s32 s5, v9;
	v7 =	vsel vm3, v6, v7  }
0x6e: {  	s3 =	simm.s32 $0xBC00;
	p1 =	por $0x0, $0x0;
	s7 =	sadd.s32 $0xFFFFFFFF, s7;
	vm3 =	vcmask $0x3F20;
	v8 =	vcombine.low v10, v8;
	v6 =	vimm.s32 $0xF  }
0x6f: {  	vm6 =	vgt.s32 v13, $0x0  }
0x70: {  	v10 =	vnsel vm6, $0x0, v13;
	_ =	sdelay $0x3  }
0x71: {  	v11 =	vld [tilespmem:s5+$0x0]  }
0x72: {  	v10 =	vld.idx.msk [tilespmem:v10+s6+$0x0], $0xffff;
	_ =	sdelay $0x4  }
0x73: {  	vm6 =	vne.s32 v11, v10  }
0x74: {  	v12 =	vsel vm6, $0x1, v5  }
0x75: {  	v13 =	vld [tilespmem:s4+$0x0];
	v17 =	vperm.xlane v12, v5;
	_ =	sdelay $0x1  }
0x76: {  	vm6 =	veq.s32 v17, $0x0  }
0x77: {  	vm6 =	vmand vm6, vm0  }
0x78: {  	v14 =	vnsel vm6, $0x0, v1  }
0x79: {  	v13 =	vadd.f32 v14, v13;
	_ =	sdelay $0x1  }
0x7a: {  	v14 =	vperm.xlane v13, v2;
	_ =	sdelay $0x1  }
0x7b: {  	vm6 =	veq.s32 v11, v10;
	v14 =	vadd.f32 v13, v14  }
0x7c: {  	vm6 =	vmand vm6, vm2  }
0x7d: {  	v15 =	vperm.xlane v12, v2;
	v13 =	vsel vm6, v14, v13  }
0x7e: {  	v14 =	vperm.xlane v13, v3  }
0x7f: {  	v16 =	vsel vm6, v15, v12  }
0x80: {  	p2 =	sne.s32 s7, $0x1;
	vm6 =	veq.s32 v16, $0x0;
	v14 =	vadd.f32 v13, v14  }
.Ltmp7:
0x81: {  	vm6 =	vmand vm6, vm1;
	(pc) =	sbr.rel @!p2 .LBB2_18-.Ltmp7, $4  }
0x82: {  	v18 =	vperm.xlane v16, v3;
	v15 =	vsel vm6, v14, v13  }
0x83: {  	s9 =	simm.s32 $0x20;
	v19 =	vperm.xlane v15, v4  }
0x84: {  	s10 =	sadd.s32 $0xFFFFFFFF, s7;
	v13 =	vadd.s32 s9, v9;
	v14 =	vsel vm6, v18, v16;
	v16 =	vperm.xlane v12, v8  }
0x85: {  	p1 =	por $0x1, $0x1;
	s8 =	simm.s32 $0x10;
	s7 =	simm.s32 $0x5E10;
	vm6 =	veq.s32 v17, $0x1;
	v12 =	vmovc v1;
	vm7 =	veq.s32 v14, $0x0;
	v17 =	vadd.f32 v15, v19  }
.LBB2_12:
0x86: {  	p2 =	sne.s32 s10, $0x1;
	vm6 =	vmand vm6, vm0;
	vm7 =	vmand vm7, vm4;
	vm8 =	veq.s32 v16, $0x1  }
0x87: {  	v16 =	vperm.xlane v14, v4;
	v15 =	vsel vm7, v17, v15;
	vm8 =	vmand vm8, vm5  }
0x88: {  	vm9 =	vgt.s32 v13, $0x0;
	v17 =	vperm.xlane v15, v7  }
0x89: {  	v13 =	vnsel vm9, $0x0, v13;
	v14 =	vsel vm7, v16, v14  }
0x8a: {  	vm7 =	veq.s32 v14, $0x0;
	v14 =	vadd.f32 v15, v17  }
0x8b: {  	vm7 =	vmand vm7, vm3  }
0x8c: {  	[tilespmem:v10+s3+$0x0] =	vst.idx.add.f32.msk vm6, v12;
	v10 =	vsel vm7, v14, v15  }
0x8d: {  	[tilespmem:v11+s3+$0x0] =	vst.idx.add.f32.msk vm8, v10;
	v12 =	vperm.xlane v10, v6  }
0x8e: {  	s8 =	sadd.s32 $0x10, s8;
	v10 =	vld.idx.msk [tilespmem:v13+s6+$0x0], $0xffff  }
0x8f: {  	v11 =	vld [tilespmem:s8+$0x0];
	v12 =	vnsel vm0, $0x0, v12;
	_ =	sdelay $0x4  }
0x90: {  	vm6 =	vne.s32 v11, v10  }
0x91: {  	s7 =	sadd.s32 $0x10, s7;
	v16 =	vsel vm6, $0x1, v5  }
0x92: {  	v13 =	vld [tilespmem:s7+$0x0];
	v17 =	vperm.xlane v16, v5;
	_ =	sdelay $0x1  }
0x93: {  	vm6 =	veq.s32 v17, $0x0  }
0x94: {  	vm6 =	vmand vm6, vm0  }
0x95: {  	v14 =	vnsel vm6, $0x0, v12  }
0x96: {  	v13 =	vadd.f32 v14, v13;
	_ =	sdelay $0x1  }
0x97: {  	v14 =	vperm.xlane v13, v2;
	_ =	sdelay $0x1  }
0x98: {  	vm6 =	veq.s32 v11, v10;
	v14 =	vadd.f32 v13, v14  }
0x99: {  	vm6 =	vmand vm6, vm2  }
0x9a: {  	v15 =	vperm.xlane v16, v2;
	v13 =	vsel vm6, v14, v13  }
0x9b: {  	v14 =	vperm.xlane v13, v3  }
0x9c: {  	v18 =	vsel vm6, v15, v16  }
0x9d: {  	vm6 =	veq.s32 v18, $0x0;
	v14 =	vadd.f32 v13, v14  }
.Ltmp8:
0x9e: {  	vm6 =	vmand vm6, vm1;
	(pc) =	sbr.rel @p2 .LBB2_12-.Ltmp8, $4  }
0x9f: {  	v19 =	vperm.xlane v18, v3;
	v15 =	vsel vm6, v14, v13  }
0xa0: {  	s9 =	sadd.s32 $0x10, s9;
	v20 =	vperm.xlane v15, v4  }
0xa1: {  	v16 =	vperm.xlane v16, v8;
	v13 =	vadd.s32 s9, v9;
	v14 =	vsel vm6, v19, v18  }
0xa2: {  	s10 =	sadd.s32 $0xFFFFFFFF, s10;
	vm6 =	veq.s32 v17, $0x1;
	vm7 =	veq.s32 v14, $0x0;
	v17 =	vadd.f32 v15, v20  }
.LBB2_13:
0xa3: {  	vm6 =	vmand @p1 vm6, vm0;
	vm7 =	vmand @p1 vm7, vm4;
	vm8 =	veq.s32 @p1 v16, $0x1  }
0xa4: {  	v9 =	vperm.xlane @p1 v14, v4;
	v15 =	vsel @p1 vm7, v17, v15;
	vm8 =	vmand @p1 vm8, vm5  }
0xa5: {  	vm9 =	vgt.s32 v13, $0x0;
	v16 =	vperm.xlane @p1 v15, v7  }
0xa6: {  	v13 =	vnsel vm9, $0x0, v13;
	v9 =	vsel @p1 vm7, v9, v14  }
0xa7: {  	vm7 =	veq.s32 @p1 v9, $0x0;
	v9 =	vadd.f32 @p1 v15, v16  }
0xa8: {  	vm7 =	vmand @p1 vm7, vm3  }
0xa9: {  	[tilespmem:v10+s3+$0x0] =	vst.idx.add.f32.msk @p1 vm6, v12;
	v9 =	vsel @p1 vm7, v9, v15  }
0xaa: {  	s8 =	sadd.s32 @p1 $0x10, s8;
	[tilespmem:v11+s3+$0x0] =	vst.idx.add.f32.msk @p1 vm8, v9  }
0xab: {  	s5 =	smov.u32 @p1 s8;
	v10 =	vld.idx.msk [tilespmem:v13+s6+$0x0], $0xffff  }
0xac: {  	v11 =	vld [tilespmem:s5+$0x0];
	_ =	sdelay $0x4  }
0xad: {  	s5 =	sadd.s32 @p1 $0x10, s7;
	vm11 =	vne.s32 v11, v10  }
0xae: {  	s4 =	smov.u32 @p1 s5;
	v60 =	vsel vm11, $0x1, v5  }
0xaf: {  	v9 =	vperm.xlane @p1 v9, v6;
	v61 =	vld [tilespmem:s4+$0x0];
	v5 =	vperm.xlane v60, v5;
	_ =	sdelay $0x1  }
0xb0: {  	v9 =	vnsel @p1 vm0, $0x0, v9;
	vm12 =	veq.s32 v5, $0x0  }
0xb1: {  	v1 =	vpsel p1, v9, v1;
	vm6 =	vmand vm12, vm0  }
0xb2: {  	v9 =	vnsel vm6, $0x0, v1  }
0xb3: {  	v9 =	vadd.f32 v9, v61;
	_ =	sdelay $0x1  }
0xb4: {  	v13 =	vperm.xlane v9, v2;
	_ =	sdelay $0x1  }
0xb5: {  	vm13 =	veq.s32 v11, v10;
	v13 =	vadd.f32 v9, v13  }
0xb6: {  	vm2 =	vmand vm13, vm2  }
0xb7: {  	v2 =	vperm.xlane v60, v2;
	v9 =	vsel vm2, v13, v9  }
0xb8: {  	v13 =	vperm.xlane v9, v3  }
0xb9: {  	v2 =	vsel vm2, v2, v60  }
0xba: {  	vm2 =	veq.s32 v2, $0x0;
	v13 =	vadd.f32 v9, v13  }
0xbb: {  	vm1 =	vmand vm2, vm1  }
0xbc: {  	v3 =	vperm.xlane v2, v3;
	v9 =	vsel vm1, v13, v9  }
0xbd: {  	v13 =	vperm.xlane v9, v4  }
0xbe: {  	v2 =	vsel vm1, v3, v2  }
0xbf: {  	vm1 =	veq.s32 v2, $0x0;
	v3 =	vadd.f32 v9, v13  }
0xc0: {  	v8 =	vperm.xlane v60, v8;
	vm1 =	vmand vm1, vm4  }
0xc1: {  	vm14 =	veq.s32 v5, $0x1;
	v62 =	vperm.xlane v2, v4;
	v3 =	vsel vm1, v3, v9  }
0xc2: {  	vm15 =	veq.s32 v8, $0x1;
	vm2 =	vmand vm14, vm0;
	v63 =	vperm.xlane v3, v7  }
0xc3: {  	vm4 =	vmand vm15, vm5;
	v2 =	vsel vm1, v62, v2  }
0xc4: {  	vm1 =	veq.s32 v2, $0x0;
	v2 =	vadd.f32 v3, v63  }
0xc5: {  	vm1 =	vmand vm1, vm3  }
0xc6: {  	v2 =	vsel vm1, v2, v3  }
0xc7: {  	v3 =	vperm.xlane v2, v6  }
0xc8: {  	[tilespmem:v10+s3+$0x0] =	vst.idx.add.f32.msk vm2, v1  }
0xc9: {  	[tilespmem:v11+s3+$0x0] =	vst.idx.add.f32.msk vm4, v2;
	v1 =	vnsel vm0, $0x0, v3  }
.LBB2_14:
0xca: {  	_ =	sdelay $0x2  }
0xcb: {  	s4 =	simm.s32 $0x0  }
0xcc: {  	v2 =	vld.idx.msk [tilespmem:v0+s4+$0x0], $0xffff;
	_ =	sdelay $0x6  }
0xcd: {  	s3 =	simm.s32 $0xBC00;
	v0 =	vlaneseq.u32  }
0xce: {  	[tilespmem:v2+s3+$0x0] =	vst.idx.add.f32.msk $0x1, v1;
	s3 =	simm.s32 $0x10C00;
	v1 =	vor.u32 s4, v0  }
0xcf: {  	s4 =	simm.s32 $0x10;
	[tilespmem:s3+$0x0] =	vst v1  }
.LBB2_15:
0xd0: {  	p1 =	sne.s32 s4, $0x27F0  }
.Ltmp9:
0xd1: {  	_ = 	snop;
	(pc) =	sbr.rel @p1 .LBB2_15-.Ltmp9, $3  }
0xd2: {  	_ =	sdelay $0x1  }
0xd3: {  	v1 =	vor.u32 s4, v0;
	s4 =	sadd.s32 $0x10, s4;
	s3 =	sadd.s32 $0x10, s3  }
0xd4: {  	[tilespmem:s3+$0x0] =	vst v1  }
0xd5: {  	s3 =	simm.s32 $0x2800  }
0xd6: {  	s4 =	simm.s32 $0x10C00;
	s5 =	simm.s32 $0xBC00;
	s31 =	simm.s32 $0x1  }
0xd7: {  	[spmem:s2] =	stream.indirect.scatter.add.f32 [tilespmem:s5], [sflag:$0x1], $0x1, s4, s3, $0xb8;
	[tilespmem:$0x13680] =	vst v63  }
0xd8: {  	_ =	swait.ge [sflag:s31], $0x2800  }
0xd9: {  	[sflag:s31] =	ssyncset.done $0x0  }
0xda: {  	[sflag:s31] =	ssyncadd.s32 $0xFFFFD800  }
0xdb: {  	s3 =	simm.s32 @!p0 $0xE400;
	[bflag:$0x0] =	sbarrier.arrive $0xFFFF  }
0xdc: {  	[tilespmem:s3], [sflag:$0x1] =	stream.linear.gather @!p0 [spmem:s2], $0x2710, $0x38;
	[tilespmem:$0x13680] =	vst v63  }
0xdd: {  	s2 =	simm.s32 @!p0 $0x1  }
0xde: {  	_ =	swait.ge @!p0 [sflag:s2], $0x2710  }
0xdf: {  	[sflag:s2] =	ssyncset.done @!p0 $0x0  }
0xe0: {  	s4 =	simm.s32 @!p0 $0x0;
	[sflag:s2] =	ssyncadd.s32 @!p0 $0xFFFFD8F0  }
0xe1: {  	[hbm4b:s1+s4] =	stream.linear.scatter @!p0 [tilespmem:s3], [sflag:$0x1], $0x2710, $0x38;
	[tilespmem:$0x13680] =	vst v63  }
0xe2: {  	_ =	swait.ge @!p0 [sflag:s2], $0x2710  }
0xe3: {  	[sflag:s2] =	ssyncset.done @!p0 $0x0  }
0xe4: {  	[sflag:s2] =	ssyncadd.s32 @!p0 $0xFFFFD8F0  }
.LBB2_17:
0xe5: {  	_ =	sfence.sel $0x180000  }
0xe6: {  	[bflag:$0x0] =	sbarrier.arrive $0xFFFF  }
0xe7: {  	_ =	strace $0x9000004D  }
0xe8: {  	s0 =	sadd.s32 @!p0 $0x100000, s0;
	[bflag:$0x2] =	sbarrier.arrive $0xFFFF  }
0xe9: {  	[sflag:s0] =	ssyncadd.tile.s32 @!p0 $0x1;
	_ =	shalt  }
.LBB2_10:
.Ltmp10:
0xea: {  	(pc) =	sbr.rel .LBB2_13-.Ltmp10, $2  }
0xeb: {  	_ =	sdelay $0x2  }
0xec: {  	v12 =	vmov v1;
	s8 =	simm.s32 $0x10;
	s7 =	simm.s32 $0x5E10  }
.LBB2_18:
.Ltmp11:
0xed: {  	(pc) =	sbr.rel .LBB2_13-.Ltmp11, $2  }
0xee: {  	_ =	sdelay $0x2  }
0xef: {  	s8 =	simm.s32 $0x10;
	s7 =	simm.s32 $0x5E10  }
.Lfunc_end2:
_tile_overlayer_lowered:
.L_overlay_start_2:
0xf0: {  	(tag) =	ssettag $0x2  }
0xf1: {  	s0 =	rddreg [dreg:$0x0];
	s2 =	stileid.u32  }
0xf2: {  	s1 =	rddreg [dreg:$0x1];
	p0 =	sne.s32 s2, $0x0  }
0xf3: {  	s3 =	rddreg [dreg:$0x2];
	[bflag:$0x3] =	sbarrier.arrive $0xFFFF;
	s2 =	simm.s32 @!p0 $0x1C01  }
0xf4: {  	[timem:s3], [sflag:s2] =	dma.local @!p0 [hbm:s0], s1  }
0xf5: {  	s0 =	simm.s32 @!p0 $0x1  }
0xf6: {  	_ =	swait.ge @!p0 [sflag:s0], s1  }
0xf7: {  	s1 =	ssub.s32 @!p0 $0x0, s1;
	[sflag:s0] =	ssyncset.done @!p0 $0x0  }
0xf8: {  	[sflag:s0] =	ssyncadd.s32 @!p0 s1  }
0xf9: {  	[bflag:$0x3] =	sbarrier.arrive $0xFFFF  }
0xfa: {  	_ =	shalt  }

// kernel: kernel.18.cloned.1.call-start
scs
__scs_entry_jumppad:
0x0: {  	(pc) =	sbr.rel $0x88, $3  }
0x1: {  	(tag) =	ssettag $0x0;
	lr =	simm.s32 $0x1  }
0x2: {  	[smem:$0x3F9D] =	sst lr;
	_ =	strace $0xD0000000  }
0x3: {  	_ = 	snop  }
0x4: {  	_ = 	snop  }
0x5: {  	_ = 	snop  }
0x6: {  	_ = 	snop  }
0x7: {  	_ = 	snop  }
__scs_overlays_trampoline_lowered:
0x8: {  	[smem:$0x3FAC] =	sst s0  }
0x9: {  	[smem:$0x3FAD] =	sst s1  }
0xa: {  	[smem:$0x3FAE] =	sst s2  }
0xb: {  	[smem:$0x3FAF] =	sst s3  }
0xc: {  	[smem:$0x3FB0] =	sst s4  }
0xd: {  	[smem:$0x3FB1] =	sst s5  }
0xe: {  	[smem:$0x3FB2] =	sst s6  }
0xf: {  	[smem:$0x3FB3] =	sst s7  }
0x10: {  	[smem:$0x3FB4] =	sst s8  }
0x11: {  	[smem:$0x3FB5] =	sst s9;
	s0 =	simm.s32 @!p0 $0x0  }
0x12: {  	s1 =	sld [smem:$0x3F9B];
	s0 =	simm.s32 @p0 $0x1  }
0x13: {  	[smem:$0x3FB6] =	sst s0;
	s0 =	simm.s32 @!p1 $0x0  }
0x14: {  	s2 =	sld [smem:$0x3F9A];
	s0 =	simm.s32 @p1 $0x1  }
0x15: {  	[smem:$0x3FB7] =	sst s0;
	s0 =	simm.s32 @!p2 $0x0  }
0x16: {  	s3 =	sld [smem:$0x3FDB];
	s0 =	simm.s32 @p2 $0x1  }
0x17: {  	s4 =	simm.s32 $0x1BF5;
	[smem:$0x3FB9] =	sst s0  }
0x18: {  	s0 =	sld [smem:$0x3F9C];
	_ =	swait.ge [sflag:s4], $0x0  }
0x19: {  	s7 =	sld [smem:$0x3F9D]  }
0x1a: {  	s8 =	sadd.s32 $0xFFFFE003, lr  }
0x1b: {  	s9 =	sadd.s32 $0xFFFFFEF7, lr;
	s5 =	simm.s32 $0xFFFFFFFF;
	p2 =	slt.u32 s8, $0xFFFFF086  }
0x1c: {  	p1 =	slt.u32 s9, $0xF7A;
	s5 =	simm.s32 @!p2 $0x0  }
0x1d: {  	s5 =	simm.s32 @p1 $0x1;
	p0 =	seq.s32 s7, s2  }
0x1e: {  	s7 =	smul.u32 @!p0 $0xF7A, s2;
	p2 =	seq.s32 @!p0 s5, $0x0  }
0x1f: {  	s9 =	smul.u32 $0xF7A, s1;
	s8 =	simm.s32 @!p0 $0x1BF5;
	p2 =	por !p2, p0  }
0x20: {  	[sflag:s8] =	ssyncset.s32 @!p0 $0xFFFFF086;
	s6 =	sadd.s32 @!p0 s3, s7;
	s7 =	simm.s32 @!p0 $0x108  }
0x21: {  	s3 =	sadd.s32 s3, s9;
	s6 =	sadd.s32 @!p0 $0x88, s6;
	s7 =	simm.s32 @p2 $0x1082  }
0x22: {  	[simem:s7], [sflag:s8] =	dma.local @!p0 [hbm:s6], $0xF7A  }
0x23: {  	s9 =	sor.u32 $0xD0000000, s2;
	s6 =	simm.s32 $0x108;
	_ =	swait.ge @!p0 [sflag:s8], $0x0  }
0x24: {  	s3 =	sadd.s32 $0x88, s3;
	s6 =	simm.s32 @!p1 $0x1082;
	[sflag:s4] =	ssyncset.s32 $0xFFFFF086  }
0x25: {  	[simem:s6], [sflag:s4] =	dma.local [hbm:s3], $0xF7A  }
0x26: {  	[smem:$0x3F9D] =	sst s1;
	(tag) =	ssettag s2;
	_ =	strace s9  }
0x27: {  	s1 =	sld [smem:$0x3FAD]  }
0x28: {  	s2 =	sld [smem:$0x3FAE]  }
0x29: {  	s4 =	sld [smem:$0x3FB0]  }
0x2a: {  	p0 =	seq.s32 s5, $0x0;
	s5 =	sld [smem:$0x3FB1]  }
0x2b: {  	s6 =	sld [smem:$0x3FB2]  }
0x2c: {  	s7 =	sld [smem:$0x3FB3]  }
0x2d: {  	s3 =	simm.s32 $0x108;
	s8 =	sld [smem:$0x3FB4]  }
0x2e: {  	s3 =	simm.s32 @!p0 $0x1082;
	s9 =	sld [smem:$0x3FB5]  }
0x2f: {  	lr =	sadd.s32 s0, s3;
	s0 =	sld [smem:$0x3FAC]  }
0x30: {  	s3 =	sld [smem:$0x3FAF]  }
0x31: {  	[smem:$0x3FB8] =	sst s10  }
0x32: {  	s10 =	sld [smem:$0x3FB6];
	_ =	sdelay $0x3  }
0x33: {  	p0 =	seq.s32 s10, $0x1;
	s10 =	sld [smem:$0x3FB8];
	_ =	sdelay $0x3  }
0x34: {  	[smem:$0x3FB8] =	sst s10  }
0x35: {  	s10 =	sld [smem:$0x3FB7];
	_ =	sdelay $0x3  }
0x36: {  	p1 =	seq.s32 s10, $0x1;
	s10 =	sld [smem:$0x3FB8];
	_ =	sdelay $0x3  }
0x37: {  	[smem:$0x3FB8] =	sst s10  }
0x38: {  	s10 =	sld [smem:$0x3FB9]  }
0x39: {  	_ = 	snop;
	(pc) =	sbr.ind lr, $3  }
0x3a: {  	_ = 	snop  }
0x3b: {  	_ = 	snop  }
0x3c: {  	p2 =	seq.s32 s10, $0x1;
	s10 =	sld [smem:$0x3FB8]  }
0x3d: {  	_ =	shalt  }
0x3e: {  	_ =	shalt  }
0x3f: {  	_ =	shalt  }
0x40: {  	_ =	shalt  }
0x41: {  	_ =	shalt  }
0x42: {  	_ =	shalt  }
0x43: {  	_ =	shalt  }
0x44: {  	_ =	shalt  }
0x45: {  	_ =	shalt  }
0x46: {  	_ =	shalt  }
0x47: {  	_ =	shalt  }
0x48: {  	_ =	shalt  }
0x49: {  	_ =	shalt  }
0x4a: {  	_ =	shalt  }
0x4b: {  	_ =	shalt  }
0x4c: {  	_ =	shalt  }
0x4d: {  	_ =	shalt  }
0x4e: {  	_ =	shalt  }
0x4f: {  	_ =	shalt  }
0x50: {  	_ =	shalt  }
0x51: {  	_ =	shalt  }
0x52: {  	_ =	shalt  }
0x53: {  	_ =	shalt  }
0x54: {  	_ =	shalt  }
0x55: {  	_ =	shalt  }
0x56: {  	_ =	shalt  }
0x57: {  	_ =	shalt  }
0x58: {  	_ =	shalt  }
0x59: {  	_ =	shalt  }
0x5a: {  	_ =	shalt  }
0x5b: {  	_ =	shalt  }
0x5c: {  	_ =	shalt  }
0x5d: {  	_ =	shalt  }
0x5e: {  	_ =	shalt  }
0x5f: {  	_ =	shalt  }
0x60: {  	_ =	shalt  }
0x61: {  	_ =	shalt  }
0x62: {  	_ =	shalt  }
0x63: {  	_ =	shalt  }
0x64: {  	_ =	shalt  }
0x65: {  	_ =	shalt  }
0x66: {  	_ =	shalt  }
0x67: {  	_ =	shalt  }
0x68: {  	_ =	shalt  }
0x69: {  	_ =	shalt  }
0x6a: {  	_ =	shalt  }
0x6b: {  	_ =	shalt  }
0x6c: {  	_ =	shalt  }
0x6d: {  	_ =	shalt  }
0x6e: {  	_ =	shalt  }
0x6f: {  	_ =	shalt  }
0x70: {  	_ =	shalt  }
0x71: {  	_ =	shalt  }
0x72: {  	_ =	shalt  }
0x73: {  	_ =	shalt  }
0x74: {  	_ =	shalt  }
0x75: {  	_ =	shalt  }
0x76: {  	_ =	shalt  }
0x77: {  	_ =	shalt  }
0x78: {  	_ =	shalt  }
0x79: {  	_ =	shalt  }
0x7a: {  	_ =	shalt  }
0x7b: {  	_ =	shalt  }
0x7c: {  	_ =	shalt  }
0x7d: {  	_ =	shalt  }
0x7e: {  	_ =	shalt  }
0x7f: {  	_ =	shalt  }
0x80: {  	_ =	shalt  }
0x81: {  	_ =	shalt  }
0x82: {  	_ =	shalt  }
0x83: {  	_ =	shalt  }
0x84: {  	_ =	shalt  }
0x85: {  	_ =	shalt  }
0x86: {  	_ =	shalt  }
0x87: {  	_ =	shalt  }
.Lfunc_end0:
.L_simem_size_0:
called_computation.3_lowered:
.L_overlay_start_0:
0x88: {  	s2 =	sld [smem:$0x3FD9]  }
0x89: {  	s3 =	sld [smem:$0x3FFE];
	_ =	sdelay $0x1  }
0x8a: {  	s1 =	srdreg.scid  }
0x8b: {  	s0 =	sand.u32 $0x1, s1  }
0x8c: {  	s14 =	sshll.u32 s0, $0xA;
	s2 =	sadd.s32 s3, s2  }
0x8d: {  	s2 =	sadd.s32 s2, s14  }
0x8e: {  	[smem:$0x3FC4] =	sst s2  }
0x8f: {  	_ = 	snop  }
0x90: {  	s2 =	sld [smem:$0x3FD0];
	_ =	sdelay $0x2  }
0x91: {  	s15 =	simm.s32 $0xA;
	s4 =	simm.s32 $0x10  }
0x92: {  	[smem:s4], [sflag:s15] =	dma.local [hbm:s2], $0x1  }
0x93: {  	_ =	swait.eq [sflag:s15], $0x1  }
0x94: {  	s16 =	sld [smem:$0x11];
	[sflag:s15] =	ssyncset.done $0x0  }
0x95: {  	s17 =	sld [smem:$0x12];
	[sflag:s15] =	ssyncadd.s32 $0xFFFFFFFF  }
0x96: {  	s18 =	sld [smem:$0x13];
	(tm) =	ssettm $0x1  }
0x97: {  	s5 =	sld [smem:$0x3FFB];
	_ =	sdelay $0x3  }
0x98: {  	_ =	strace s5  }
0x99: {  	s5 =	sld [smem:$0x3FFC];
	_ =	sdelay $0x3  }
0x9a: {  	_ =	strace s5  }
0x9b: {  	s5 =	sld [smem:$0x3FFD];
	_ =	sdelay $0x3  }
0x9c: {  	_ =	strace s5  }
0x9d: {  	_ =	strace $0x8FFFFFFF  }
0x9e: {  	s19 =	sld [smem:$0x3FDB];
	_ =	sdelay $0x1  }
0x9f: {  	s6 =	simm.s32 $_scs_section_size  }
0xa0: {  	s7 =	simm.s32 $_size__tile_overlayer_lowered;
	s8 =	simm.s32 $_tile_overlayer_lowered  }
0xa1: {  	s22 =	simm.s32 $0x1BFF;
	s21 =	sshll.u32 s8, $0x1;
	s5 =	sadd.s32 s6, s19  }
0xa2: {  	s9 =	simm.s32 $0x0;
	s20 =	sshll.u32 s7, $0x1;
	s7 =	sadd.s32 s21, s5  }
0xa3: {  	[timem:s9], [sflag:s22] =	dma.local [hbm:s7], s20  }
0xa4: {  	_ =	swait.ge [sflag:s22], s20  }
0xa5: {  	s6 =	ssub.s32 $0x0, s20;
	[sflag:s22] =	ssyncset.done $0x0  }
0xa6: {  	[sflag:s22] =	ssyncadd.s32 s6;
	_ =	sdelay $0x1  }
0xa7: {  	s23 =	simm.s32 $0x1B8B  }
0xa8: {  	_ =	swait.ge [sflag:s23], $0x1  }
0xa9: {  	[sflag:s23] =	ssyncset.done $0x0  }
0xaa: {  	s25 =	simm.s32 $0x1B8E;
	s24 =	sld [smem:$0x3FFE];
	[sflag:s23] =	ssyncadd.s32 $0xFFFFFFFF  }
0xab: {  	s26 =	simm.s32 $execute0_lowered;
	[smem:$0x3FD2] =	sst s25  }
0xac: {  	s7 =	sshll.u32 s26, $0x1;
	_ =	strace $0x8000004F;
	[dreg:$0x1] =	wrdreg $0xFFFFFFFF  }
0xad: {  	s28 =	simm.s32 $_size_execute0_lowered;
	s5 =	sadd.s32 s5, s7;
	[dreg:$0x0] =	wrdreg $0x0  }
0xae: {  	s7 =	sshll.u32 s28, $0x1;
	[dreg:$0x2] =	wrdreg s5  }
0xaf: {  	[dreg:$0x3] =	wrdreg s7  }
0xb0: {  	[dreg:$0x4] =	wrdreg $0xC0  }
0xb1: {  	_ =	task [dreg:s9], $0x5FFFF  }
0xb2: {  	[dreg:$0x1] =	wrdreg $0xFFFFFFFF  }
0xb3: {  	[dreg:$0x0] =	wrdreg $0x60  }
0xb4: {  	[dreg:$0x2] =	wrdreg s18  }
0xb5: {  	[dreg:$0x3] =	wrdreg s24  }
0xb6: {  	[dreg:$0x4] =	wrdreg s16  }
0xb7: {  	[dreg:$0x5] =	wrdreg s17  }
0xb8: {  	[dreg:$0x6] =	wrdreg $0xCB000  }
0xb9: {  	[dreg:$0x7] =	wrdreg $0x9  }
0xba: {  	_ =	task.clear_ibuf [dreg:s9], $0x8FFFF;
	_ =	strace $0x9000004F  }
0xbb: {  	s29 =	simm.s32 $0x9;
	_ =	strace $0x80000051  }
0xbc: {  	_ =	swait.ge [sflag:s29], $0x1  }
0xbd: {  	[sflag:s29] =	ssyncadd.s32 $0xFFFFFFFF  }
0xbe: {  	_ =	strace $0x90000051  }
0xbf: {  	_ =	sfence  }
0xc0: {  	s30 =	sld [smem:$0x0];
	_ =	sdelay $0x2  }
0xc1: {  	s31 =	sshll.u32 s1, $0xD;
	s1 =	sshrl.u32 s1, $0x2  }
0xc2: {  	s3 =	sand.u32 $0x4000, s31;
	s1 =	sadd.s32 s1, s30  }
0xc3: {  	s0 =	sor.u32 s3, s0;
	s1 =	sshll.u32 s1, $0x11  }
0xc4: {  	s0 =	sor.u32 s1, s0  }
0xc5: {  	s0 =	sadd.s32 $0x8F2B, s0  }
0xc6: {  	[sflag:s0] =	ssyncadd.remote.s32 $0x1  }
0xc7: {  	_ =	sfence.sel $0xFFFF  }
0xc8: {  	[dreg:$0x0] =	wrdreg $0xFFFFFFFF;
	(pc) =	sbr.abs _section_cstart, $3  }
0xc9: {  	[dreg:$0x1] =	wrdreg $0xFFFFFFFF  }
0xca: {  	_ =	task.clear_ibuf [dreg:s9], $0x2FFFF;
	_ =	strace $0x9FFFFFFF  }
0xcb: {  	(tm) =	ssettm $0x7FFFFFFF  }
tec
execute0_lowered:
.L_overlay_start_1:
0x0: {  	(tag) =	ssettag $0x1  }
0x1: {  	s9 =	rddreg [dreg:$0x0]  }
0x2: {  	s5 =	rddreg [dreg:$0x1]  }
0x3: {  	s0 =	rddreg [dreg:$0x2]  }
0x4: {  	s8 =	rddreg [dreg:$0x3];
	s1 =	srdreg.scid  }
0x5: {  	s16 =	stileid.u32;
	s2 =	rddreg [dreg:$0x4]  }
0x6: {  	s3 =	simm.s32 $0x0;
	s13 =	simm.s32 $0x2C80;
	s14 =	simm.s32 $0x5400  }
0x7: {  	s15 =	sand.u32 $0x1, s1;
	s4 =	sshll.u32 s16, $0x1;
	s1 =	rddreg [dreg:$0x5]  }
0x8: {  	s17 =	simm.s32 $0x0;
	[smem:$0x7FF] =	sst s3;
	s4 =	sor.u32 s15, s4  }
0x9: {  	p0 =	sne.s32 s16, $0x0;
	s6 =	ssub.s32 $0x2, s15;
	s10 =	smul.u32 $0x4E2, s4  }
0xa: {  	_ =	strace $0x80000050;
	p1 =	sne.s32 s15, $0x0;
	s4 =	smul.u32 $0x280, s16  }
.Ltmp0:
0xb: {  	s15 =	simm.s32 $0x7B80;
	s7 =	sshrl.u32 s6, $0x1;
	(pc) =	sbr.rel .LBB2_1-.Ltmp0, $4  }
0xc: {  	s16 =	simm.s32 $0x280;
	s12 =	ssub.s32 s6, s7;
	s11 =	sadd.s32 s10, s5  }
0xd: {  	s5 =	sadd.s32 $0x14200, s5;
	s31 =	sshrl.u32 s4, $0x3;
	s8 =	sadd.s32 s8, s10  }
0xe: {  	s10 =	smax.u32 s12, $0x1;
	s12 =	simm.s32 $0x1;
	s6 =	sadd.s32 $0x600, s11  }
0xf: {  	v0 =	vimm.f32 $0.0e+00;
	v1 =	vlaneseq.u32;
	s7 =	sadd.s32 $0xA400, s11;
	s9 =	sadd.s32 s9, s31;
	s11 =	simm.s32 $0x500  }
.LBB2_6:
0x10: {  	[tilespmem:s20+$0x280] =	vst v2  }
0x11: {  	[spmem:s2] =	stream.indirect.scatter [tilespmem:s16], [sflag:$0x1], $0x1, s3, s16, $0xb8;
	[tilespmem:$0xCD80] =	vst v63  }
0x12: {  	_ =	swait.ge [sflag:s12], $0x280  }
0x13: {  	[sflag:s12] =	ssyncset.done $0x0  }
0x14: {  	[sflag:s12] =	ssyncadd.s32 $0xFFFFFD80  }
0x15: {  	s18 =	simm.s32 @!p0 $0xA300;
	s19 =	simm.s32 @!p0 $0x1;
	[bflag:$0x0] =	sbarrier.arrive $0xFFFF  }
0x16: {  	[tilespmem:s18], [sflag:$0x1] =	stream.linear.gather @!p0 [spmem:s2], $0x2800, $0x38;
	[tilespmem:$0xCD80] =	vst v63  }
0x17: {  	_ =	swait.ge @!p0 [sflag:s19], $0x2800  }
0x18: {  	[sflag:s19] =	ssyncset.done @!p0 $0x0  }
0x19: {  	s20 =	simm.s32 @!p0 $0x0;
	[sflag:s19] =	ssyncadd.s32 @!p0 $0xFFFFD800  }
0x1a: {  	[hbm4b:s5+s20] =	stream.linear.scatter @!p0 [tilespmem:s18], [sflag:$0x1], $0x2800, $0x38;
	[tilespmem:$0xCD80] =	vst v63  }
0x1b: {  	_ =	swait.ge @!p0 [sflag:s19], $0x2800  }
0x1c: {  	[sflag:s19] =	ssyncset.done @!p0 $0x0  }
0x1d: {  	[sflag:s19] =	ssyncadd.s32 @!p0 $0xFFFFD800  }
.LBB2_7:
0x1e: {  	s17 =	sadd.s32 $0x1, s17  }
0x1f: {  	p2 =	sne.s32 s17, s10  }
.Ltmp1:
0x20: {  	_ = 	snop;
	(pc) =	sbr.rel @!p2 .LBB2_8-.Ltmp1, $1  }
0x21: {  	_ =	sdelay $0x3  }
.LBB2_1:
0x22: {  	[tilespmem:s11], [sflag:$0x1] =	stream.linear.gather [hbm4b:s6+s3], $0x2710, $0x38;
	[tilespmem:$0xCD80] =	vst v63  }
0x23: {  	_ =	swait.ge [sflag:s12], $0x2710  }
0x24: {  	[sflag:s12] =	ssyncset.done $0x0  }
0x25: {  	[sflag:s12] =	ssyncadd.s32 $0xFFFFD8F0  }
0x26: {  	[tilespmem:s13], [sflag:$0x1] =	stream.linear.gather [hbm4b:s7+s3], $0x2710, $0x38;
	[tilespmem:$0xCD80] =	vst v63  }
0x27: {  	_ =	swait.ge [sflag:s12], $0x2710  }
0x28: {  	[sflag:s12] =	ssyncset.done $0x0  }
0x29: {  	[sflag:s12] =	ssyncadd.s32 $0xFFFFD8F0  }
0x2a: {  	[tilespmem:s14], [sflag:$0x1] =	stream.linear.gather [hbm4b:s0+s3], $0x2780, $0x38;
	[tilespmem:$0xCD80] =	vst v63  }
0x2b: {  	_ =	swait.ge [sflag:s12], $0x2780  }
0x2c: {  	[sflag:s12] =	ssyncset.done $0x0  }
0x2d: {  	s18 =	simm.s32 $0x0;
	[sflag:s12] =	ssyncadd.s32 $0xFFFFD880  }
0x2e: {  	v2 =	vld [tilespmem:s18+$0x2C80]  }
0x2f: {  	v4 =	vld [tilespmem:s18+$0x500];
	_ =	sdelay $0x6  }
0x30: {  	v3 =	vld.idx.msk [tilespmem:v2+s14+$0x0], $0xffff  }
0x31: {  	v4 =	vld.idx.msk [tilespmem:v4+s14+$0x0], $0xffff  }
0x32: {  	s19 =	simm.s32 $0x10  }
0x33: {  	s20 =	simm.s32 $0x80;
	v2 =	vld [tilespmem:s19+$0x2C80]  }
.LBB2_2:
0x34: {  	p2 =	sne.s32 s20, $0x9C00;
	v5 =	vld [tilespmem:s19+$0x500];
	_ =	sdelay $0x1  }
0x35: {  	v3 =	vadd.f32 v3, v4;
	_ =	sdelay $0x1  }
0x36: {  	vm0 =	veq.f32 v3, $2.000000000e+00  }
0x37: {  	v3 =	vsel vm0, $0x3F800000, v0  }
0x38: {  	[tilespmem:s18+$0x7B80] =	vst v3;
	s18 =	smov.u32 s19  }
.Ltmp2:
0x39: {  	v3 =	vld.idx.msk [tilespmem:v2+s14+$0x0], $0xffff;
	(pc) =	sbr.rel @p2 .LBB2_2-.Ltmp2, $3  }
0x3a: {  	v4 =	vld.idx.msk [tilespmem:v5+s14+$0x0], $0xffff;
	_ =	sdelay $0x1  }
0x3b: {  	s19 =	sshra.s32 s20, $0x2  }
0x3c: {  	s20 =	sadd.s32 $0x40, s20;
	v2 =	vld [tilespmem:s19+$0x2C80]  }
0x3d: {  	_ = 	snop  }
0x3e: {  	v5 =	vld [tilespmem:s19+$0x500];
	_ =	sdelay $0x1  }
0x3f: {  	v3 =	vadd.f32 v3, v4;
	_ =	sdelay $0x1  }
0x40: {  	vm0 =	veq.f32 v3, $2.000000000e+00  }
0x41: {  	v3 =	vsel vm0, $0x3F800000, v0  }
0x42: {  	[tilespmem:s18+$0x7B80] =	vst v3  }
0x43: {  	v2 =	vld.idx.msk [tilespmem:v2+s14+$0x0], $0xffff  }
0x44: {  	v3 =	vld.idx.msk [tilespmem:v5+s14+$0x0], $0xffff;
	_ =	sdelay $0x4  }
0x45: {  	v2 =	vadd.f32 v2, v3;
	_ =	sdelay $0x1  }
0x46: {  	vm15 =	veq.f32 v2, $2.000000000e+00  }
0x47: {  	v2 =	vsel vm15, $0x3F800000, v0  }
.Ltmp3:
0x48: {  	[tilespmem:s19+$0x7B80] =	vst v2;
	(pc) =	sbr.rel @p1 .LBB2_7-.Ltmp3, $4  }
0x49: {  	[hbm4b:s8+s3] =	stream.linear.scatter [tilespmem:s15], [sflag:$0x1], $0x2710, $0x38;
	[tilespmem:$0xCD80] =	vst v63  }
0x4a: {  	_ =	swait.ge [sflag:s12], $0x2710  }
0x4b: {  	[sflag:s12] =	ssyncset.done $0x0  }
0x4c: {  	[sflag:s12] =	ssyncadd.s32 $0xFFFFD8F0  }
0x4d: {  	s18 =	simm.s32 $0x0  }
0x4e: {  	[tilespmem:s18], [sflag:$0x1] =	stream.linear.gather [hbm4b:s9+s18], $0x280, $0x38;
	[tilespmem:$0xCD80] =	vst v63  }
0x4f: {  	_ =	swait.ge [sflag:s12], $0x280  }
0x50: {  	s20 =	simm.s32 $0x0;
	[sflag:s12] =	ssyncset.done $0x0  }
0x51: {  	v2 =	vor.u32 s4, v1;
	s19 =	smov.u32 s4;
	s18 =	simm.s32 $0x40;
	[sflag:s12] =	ssyncadd.s32 $0xFFFFFD80  }
.LBB2_5:
0x52: {  	p2 =	sne.s32 s18, $0x9C0  }
0x53: {  	[tilespmem:s20+$0x280] =	vst v2;
	s19 =	sadd.s32 $0x10, s19;
	s20 =	smov.u32 s18;
	s18 =	sadd.s32 $0x40, s18  }
.Ltmp4:
0x54: {  	(pc) =	sbr.rel @p2 .LBB2_5-.Ltmp4, $2  }
0x55: {  	_ =	sdelay $0x2  }
0x56: {  	v2 =	vor.u32 s19, v1;
	s20 =	sshra.s32 s20, $0x2  }
.Ltmp5:
0x57: {  	_ = 	snop;
	(pc) =	sbr.rel .LBB2_6-.Ltmp5, $1  }
0x58: {  	_ =	sdelay $0x3  }
.LBB2_8:
0x59: {  	_ =	sfence.sel $0x180000  }
0x5a: {  	[bflag:$0x0] =	sbarrier.arrive $0xFFFF  }
0x5b: {  	_ =	strace $0x90000050  }
0x5c: {  	s0 =	sadd.s32 @!p0 $0x100000, s1;
	[bflag:$0x2] =	sbarrier.arrive $0xFFFF  }
0x5d: {  	[sflag:s0] =	ssyncadd.tile.s32 @!p0 $0x1;
	_ =	shalt  }
.Lfunc_end2:
_tile_overlayer_lowered:
.L_overlay_start_2:
0x5e: {  	(tag) =	ssettag $0x2  }
0x5f: {  	s0 =	rddreg [dreg:$0x0];
	s2 =	stileid.u32  }
0x60: {  	s1 =	rddreg [dreg:$0x1];
	p0 =	sne.s32 s2, $0x0  }
0x61: {  	s3 =	rddreg [dreg:$0x2];
	[bflag:$0x3] =	sbarrier.arrive $0xFFFF;
	s2 =	simm.s32 @!p0 $0x1C01  }
0x62: {  	[timem:s3], [sflag:s2] =	dma.local @!p0 [hbm:s0], s1  }
0x63: {  	s0 =	simm.s32 @!p0 $0x1  }
0x64: {  	_ =	swait.ge @!p0 [sflag:s0], s1  }
0x65: {  	s1 =	ssub.s32 @!p0 $0x0, s1;
	[sflag:s0] =	ssyncset.done @!p0 $0x0  }
0x66: {  	[sflag:s0] =	ssyncadd.s32 @!p0 s1  }
0x67: {  	[bflag:$0x3] =	sbarrier.arrive $0xFFFF  }
0x68: {  	_ =	shalt  }

// kernel: kernel.9.cloned.1.call-start
scs
__scs_entry_jumppad:
0x0: {  	(pc) =	sbr.rel $0x88, $3  }
0x1: {  	(tag) =	ssettag $0x0;
	lr =	simm.s32 $0x1  }
0x2: {  	[smem:$0x3F9D] =	sst lr;
	_ =	strace $0xD0000000  }
0x3: {  	_ = 	snop  }
0x4: {  	_ = 	snop  }
0x5: {  	_ = 	snop  }
0x6: {  	_ = 	snop  }
0x7: {  	_ = 	snop  }
__scs_overlays_trampoline_lowered:
0x8: {  	[smem:$0x3FAC] =	sst s0  }
0x9: {  	[smem:$0x3FAD] =	sst s1  }
0xa: {  	[smem:$0x3FAE] =	sst s2  }
0xb: {  	[smem:$0x3FAF] =	sst s3  }
0xc: {  	[smem:$0x3FB0] =	sst s4  }
0xd: {  	[smem:$0x3FB1] =	sst s5  }
0xe: {  	[smem:$0x3FB2] =	sst s6  }
0xf: {  	[smem:$0x3FB3] =	sst s7  }
0x10: {  	[smem:$0x3FB4] =	sst s8  }
0x11: {  	[smem:$0x3FB5] =	sst s9;
	s0 =	simm.s32 @!p0 $0x0  }
0x12: {  	s1 =	sld [smem:$0x3F9B];
	s0 =	simm.s32 @p0 $0x1  }
0x13: {  	[smem:$0x3FB6] =	sst s0;
	s0 =	simm.s32 @!p1 $0x0  }
0x14: {  	s2 =	sld [smem:$0x3F9A];
	s0 =	simm.s32 @p1 $0x1  }
0x15: {  	[smem:$0x3FB7] =	sst s0;
	s0 =	simm.s32 @!p2 $0x0  }
0x16: {  	s3 =	sld [smem:$0x3FDB];
	s0 =	simm.s32 @p2 $0x1  }
0x17: {  	s4 =	simm.s32 $0x1BF5;
	[smem:$0x3FB9] =	sst s0  }
0x18: {  	s0 =	sld [smem:$0x3F9C];
	_ =	swait.ge [sflag:s4], $0x0  }
0x19: {  	s7 =	sld [smem:$0x3F9D]  }
0x1a: {  	s8 =	sadd.s32 $0xFFFFE003, lr  }
0x1b: {  	s9 =	sadd.s32 $0xFFFFFEF7, lr;
	s5 =	simm.s32 $0xFFFFFFFF;
	p2 =	slt.u32 s8, $0xFFFFF086  }
0x1c: {  	p1 =	slt.u32 s9, $0xF7A;
	s5 =	simm.s32 @!p2 $0x0  }
0x1d: {  	s5 =	simm.s32 @p1 $0x1;
	p0 =	seq.s32 s7, s2  }
0x1e: {  	s7 =	smul.u32 @!p0 $0xF7A, s2;
	p2 =	seq.s32 @!p0 s5, $0x0  }
0x1f: {  	s9 =	smul.u32 $0xF7A, s1;
	s8 =	simm.s32 @!p0 $0x1BF5;
	p2 =	por !p2, p0  }
0x20: {  	[sflag:s8] =	ssyncset.s32 @!p0 $0xFFFFF086;
	s6 =	sadd.s32 @!p0 s3, s7;
	s7 =	simm.s32 @!p0 $0x108  }
0x21: {  	s3 =	sadd.s32 s3, s9;
	s6 =	sadd.s32 @!p0 $0x88, s6;
	s7 =	simm.s32 @p2 $0x1082  }
0x22: {  	[simem:s7], [sflag:s8] =	dma.local @!p0 [hbm:s6], $0xF7A  }
0x23: {  	s9 =	sor.u32 $0xD0000000, s2;
	s6 =	simm.s32 $0x108;
	_ =	swait.ge @!p0 [sflag:s8], $0x0  }
0x24: {  	s3 =	sadd.s32 $0x88, s3;
	s6 =	simm.s32 @!p1 $0x1082;
	[sflag:s4] =	ssyncset.s32 $0xFFFFF086  }
0x25: {  	[simem:s6], [sflag:s4] =	dma.local [hbm:s3], $0xF7A  }
0x26: {  	[smem:$0x3F9D] =	sst s1;
	(tag) =	ssettag s2;
	_ =	strace s9  }
0x27: {  	s1 =	sld [smem:$0x3FAD]  }
0x28: {  	s2 =	sld [smem:$0x3FAE]  }
0x29: {  	s4 =	sld [smem:$0x3FB0]  }
0x2a: {  	p0 =	seq.s32 s5, $0x0;
	s5 =	sld [smem:$0x3FB1]  }
0x2b: {  	s6 =	sld [smem:$0x3FB2]  }
0x2c: {  	s7 =	sld [smem:$0x3FB3]  }
0x2d: {  	s3 =	simm.s32 $0x108;
	s8 =	sld [smem:$0x3FB4]  }
0x2e: {  	s3 =	simm.s32 @!p0 $0x1082;
	s9 =	sld [smem:$0x3FB5]  }
0x2f: {  	lr =	sadd.s32 s0, s3;
	s0 =	sld [smem:$0x3FAC]  }
0x30: {  	s3 =	sld [smem:$0x3FAF]  }
0x31: {  	[smem:$0x3FB8] =	sst s10  }
0x32: {  	s10 =	sld [smem:$0x3FB6];
	_ =	sdelay $0x3  }
0x33: {  	p0 =	seq.s32 s10, $0x1;
	s10 =	sld [smem:$0x3FB8];
	_ =	sdelay $0x3  }
0x34: {  	[smem:$0x3FB8] =	sst s10  }
0x35: {  	s10 =	sld [smem:$0x3FB7];
	_ =	sdelay $0x3  }
0x36: {  	p1 =	seq.s32 s10, $0x1;
	s10 =	sld [smem:$0x3FB8];
	_ =	sdelay $0x3  }
0x37: {  	[smem:$0x3FB8] =	sst s10  }
0x38: {  	s10 =	sld [smem:$0x3FB9]  }
0x39: {  	_ = 	snop;
	(pc) =	sbr.ind lr, $3  }
0x3a: {  	_ = 	snop  }
0x3b: {  	_ = 	snop  }
0x3c: {  	p2 =	seq.s32 s10, $0x1;
	s10 =	sld [smem:$0x3FB8]  }
0x3d: {  	_ =	shalt  }
0x3e: {  	_ =	shalt  }
0x3f: {  	_ =	shalt  }
0x40: {  	_ =	shalt  }
0x41: {  	_ =	shalt  }
0x42: {  	_ =	shalt  }
0x43: {  	_ =	shalt  }
0x44: {  	_ =	shalt  }
0x45: {  	_ =	shalt  }
0x46: {  	_ =	shalt  }
0x47: {  	_ =	shalt  }
0x48: {  	_ =	shalt  }
0x49: {  	_ =	shalt  }
0x4a: {  	_ =	shalt  }
0x4b: {  	_ =	shalt  }
0x4c: {  	_ =	shalt  }
0x4d: {  	_ =	shalt  }
0x4e: {  	_ =	shalt  }
0x4f: {  	_ =	shalt  }
0x50: {  	_ =	shalt  }
0x51: {  	_ =	shalt  }
0x52: {  	_ =	shalt  }
0x53: {  	_ =	shalt  }
0x54: {  	_ =	shalt  }
0x55: {  	_ =	shalt  }
0x56: {  	_ =	shalt  }
0x57: {  	_ =	shalt  }
0x58: {  	_ =	shalt  }
0x59: {  	_ =	shalt  }
0x5a: {  	_ =	shalt  }
0x5b: {  	_ =	shalt  }
0x5c: {  	_ =	shalt  }
0x5d: {  	_ =	shalt  }
0x5e: {  	_ =	shalt  }
0x5f: {  	_ =	shalt  }
0x60: {  	_ =	shalt  }
0x61: {  	_ =	shalt  }
0x62: {  	_ =	shalt  }
0x63: {  	_ =	shalt  }
0x64: {  	_ =	shalt  }
0x65: {  	_ =	shalt  }
0x66: {  	_ =	shalt  }
0x67: {  	_ =	shalt  }
0x68: {  	_ =	shalt  }
0x69: {  	_ =	shalt  }
0x6a: {  	_ =	shalt  }
0x6b: {  	_ =	shalt  }
0x6c: {  	_ =	shalt  }
0x6d: {  	_ =	shalt  }
0x6e: {  	_ =	shalt  }
0x6f: {  	_ =	shalt  }
0x70: {  	_ =	shalt  }
0x71: {  	_ =	shalt  }
0x72: {  	_ =	shalt  }
0x73: {  	_ =	shalt  }
0x74: {  	_ =	shalt  }
0x75: {  	_ =	shalt  }
0x76: {  	_ =	shalt  }
0x77: {  	_ =	shalt  }
0x78: {  	_ =	shalt  }
0x79: {  	_ =	shalt  }
0x7a: {  	_ =	shalt  }
0x7b: {  	_ =	shalt  }
0x7c: {  	_ =	shalt  }
0x7d: {  	_ =	shalt  }
0x7e: {  	_ =	shalt  }
0x7f: {  	_ =	shalt  }
0x80: {  	_ =	shalt  }
0x81: {  	_ =	shalt  }
0x82: {  	_ =	shalt  }
0x83: {  	_ =	shalt  }
0x84: {  	_ =	shalt  }
0x85: {  	_ =	shalt  }
0x86: {  	_ =	shalt  }
0x87: {  	_ =	shalt  }
.Lfunc_end0:
.L_simem_size_0:
called_computation_lowered:
.L_overlay_start_0:
0x88: {  	s2 =	sld [smem:$0x3FD9]  }
0x89: {  	s3 =	sld [smem:$0x3FFE];
	_ =	sdelay $0x1  }
0x8a: {  	s1 =	srdreg.scid  }
0x8b: {  	s0 =	sand.u32 $0x1, s1  }
0x8c: {  	s14 =	sshll.u32 s0, $0xA;
	s2 =	sadd.s32 s3, s2  }
0x8d: {  	s2 =	sadd.s32 s2, s14  }
0x8e: {  	[smem:$0x3FC4] =	sst s2  }
0x8f: {  	_ = 	snop  }
0x90: {  	s2 =	sld [smem:$0x3FD0];
	_ =	sdelay $0x2  }
0x91: {  	s15 =	simm.s32 $0xA;
	s4 =	simm.s32 $0x10  }
0x92: {  	[smem:s4], [sflag:s15] =	dma.local [hbm:s2], $0x1  }
0x93: {  	_ =	swait.eq [sflag:s15], $0x1  }
0x94: {  	[sflag:s15] =	ssyncset.done $0x0  }
0x95: {  	[sflag:s15] =	ssyncadd.s32 $0xFFFFFFFF  }
0x96: {  	s16 =	sld [smem:$0x13];
	(tm) =	ssettm $0x1  }
0x97: {  	s17 =	sld [smem:$0x3FFB];
	_ =	sdelay $0x3  }
0x98: {  	_ =	strace s17  }
0x99: {  	s3 =	sld [smem:$0x3FFC];
	_ =	sdelay $0x3  }
0x9a: {  	_ =	strace s3  }
0x9b: {  	s3 =	sld [smem:$0x3FFD];
	_ =	sdelay $0x3  }
0x9c: {  	_ =	strace s3  }
0x9d: {  	_ =	strace $0x8FFFFFFF  }
0x9e: {  	s18 =	sld [smem:$0x3FDB];
	_ =	sdelay $0x1  }
0x9f: {  	s19 =	simm.s32 $_scs_section_size  }
0xa0: {  	s5 =	simm.s32 $_size__tile_overlayer_lowered;
	s6 =	simm.s32 $_tile_overlayer_lowered  }
0xa1: {  	s22 =	simm.s32 $0x1BFF;
	s21 =	sshll.u32 s6, $0x1;
	s3 =	sadd.s32 s19, s18  }
0xa2: {  	s7 =	simm.s32 $0x0;
	s20 =	sshll.u32 s5, $0x1;
	s5 =	sadd.s32 s21, s3  }
0xa3: {  	[timem:s7], [sflag:s22] =	dma.local [hbm:s5], s20  }
0xa4: {  	_ =	swait.ge [sflag:s22], s20  }
0xa5: {  	s4 =	ssub.s32 $0x0, s20;
	[sflag:s22] =	ssyncset.done $0x0  }
0xa6: {  	[sflag:s22] =	ssyncadd.s32 s4;
	_ =	sdelay $0x1  }
0xa7: {  	s23 =	simm.s32 $0x1B8B  }
0xa8: {  	_ =	swait.ge [sflag:s23], $0x1  }
0xa9: {  	[sflag:s23] =	ssyncset.done $0x0  }
0xaa: {  	s25 =	simm.s32 $0x1B8E;
	s24 =	sld [smem:$0x3FFE];
	[sflag:s23] =	ssyncadd.s32 $0xFFFFFFFF  }
0xab: {  	s26 =	simm.s32 $execute0_lowered;
	[smem:$0x3FD2] =	sst s25  }
0xac: {  	s5 =	sshll.u32 s26, $0x1;
	_ =	strace $0x80000046;
	[dreg:$0x1] =	wrdreg $0xFFFFFFFF  }
0xad: {  	s28 =	simm.s32 $_size_execute0_lowered;
	s3 =	sadd.s32 s3, s5;
	[dreg:$0x0] =	wrdreg $0x0  }
0xae: {  	s5 =	sshll.u32 s28, $0x1;
	[dreg:$0x2] =	wrdreg s3  }
0xaf: {  	[dreg:$0x3] =	wrdreg s5  }
0xb0: {  	[dreg:$0x4] =	wrdreg $0xC0  }
0xb1: {  	_ =	task [dreg:s7], $0x5FFFF  }
0xb2: {  	[dreg:$0x1] =	wrdreg $0xFFFFFFFF  }
0xb3: {  	[dreg:$0x0] =	wrdreg $0x60  }
0xb4: {  	[dreg:$0x2] =	wrdreg s24  }
0xb5: {  	[dreg:$0x3] =	wrdreg s16  }
0xb6: {  	[dreg:$0x4] =	wrdreg $0xC5000  }
0xb7: {  	[dreg:$0x5] =	wrdreg $0x9  }
0xb8: {  	_ =	task.clear_ibuf [dreg:s7], $0x6FFFF;
	_ =	strace $0x90000046  }
0xb9: {  	s29 =	simm.s32 $0x9;
	_ =	strace $0x80000048  }
0xba: {  	_ =	swait.ge [sflag:s29], $0x1  }
0xbb: {  	[sflag:s29] =	ssyncadd.s32 $0xFFFFFFFF  }
0xbc: {  	_ =	strace $0x90000048  }
0xbd: {  	_ =	sfence  }
0xbe: {  	s30 =	sld [smem:$0x0];
	_ =	sdelay $0x2  }
0xbf: {  	s31 =	sshll.u32 s1, $0xD;
	s1 =	sshrl.u32 s1, $0x2  }
0xc0: {  	s3 =	sand.u32 $0x4000, s31;
	s1 =	sadd.s32 s1, s30  }
0xc1: {  	s0 =	sor.u32 s3, s0;
	s1 =	sshll.u32 s1, $0x11  }
0xc2: {  	s0 =	sor.u32 s1, s0  }
0xc3: {  	s0 =	sadd.s32 $0x8F2B, s0  }
0xc4: {  	[sflag:s0] =	ssyncadd.remote.s32 $0x1  }
0xc5: {  	_ =	sfence.sel $0xFFFF  }
0xc6: {  	[dreg:$0x0] =	wrdreg $0xFFFFFFFF;
	(pc) =	sbr.abs _section_cstart, $3  }
0xc7: {  	[dreg:$0x1] =	wrdreg $0xFFFFFFFF  }
0xc8: {  	_ =	task.clear_ibuf [dreg:s7], $0x2FFFF;
	_ =	strace $0x9FFFFFFF  }
0xc9: {  	(tm) =	ssettm $0x7FFFFFFF  }
tec
execute0_lowered:
.L_overlay_start_1:
0x0: {  	(tag) =	ssettag $0x1  }
0x1: {  	s4 =	srdreg.scid  }
0x2: {  	s6 =	sand.u32 $0x1, s4  }
0x3: {  	p1 =	seq.s32 s6, $0x1  }
.Ltmp0:
0x4: {  	s3 =	rddreg [dreg:$0x0];
	(pc) =	sbr.rel @p1 .LBB2_8-.Ltmp0, $4  }
0x5: {  	s1 =	rddreg [dreg:$0x1]  }
0x6: {  	s2 =	rddreg [dreg:$0x2];
	s5 =	simm.s32 $0x0  }
0x7: {  	[smem:$0x7FF] =	sst s5;
	s4 =	stileid.u32  }
0x8: {  	s0 =	rddreg [dreg:$0x3];
	_ =	strace $0x80000047;
	p0 =	sne.s32 s4, $0x0  }
.Ltmp1:
0x9: {  	(pc) =	sbr.rel @p0 .LBB2_5-.Ltmp1, $3  }
0xa: {  	s4 =	smul.u32 $0x9C4, s4;
	_ =	sdelay $0x1  }
0xb: {  	s3 =	sadd.s32 s4, s3  }
0xc: {  	s3 =	sadd.s32 $0xA400, s3  }
0xd: {  	v0 =	vimm.f32 $0.0e+00;
	s4 =	simm.s32 $0x40;
	s5 =	simm.s32 $0x0  }
.LBB2_3:
0xe: {  	p1 =	sne.s32 s4, $0x9FC0;
	[tilespmem:s5+$0x9D00] =	vst v0;
	s5 =	smov.u32 s4;
	s4 =	sadd.s32 $0x40, s4  }
.Ltmp2:
0xf: {  	(pc) =	sbr.rel @p1 .LBB2_3-.Ltmp2, $2  }
0x10: {  	_ =	sdelay $0x2  }
0x11: {  	s5 =	sshra.s32 s5, $0x2  }
0x12: {  	[tilespmem:s5+$0x9D00] =	vst v0;
	s4 =	simm.s32 $0x9D00;
	s31 =	simm.s32 $0x1  }
0x13: {  	[spmem:s2] =	stream.linear.scatter [tilespmem:s4], [sflag:$0x1], $0x2800, $0x38;
	[tilespmem:$0xC780] =	vst v63  }
0x14: {  	_ =	swait.ge [sflag:s31], $0x2800  }
0x15: {  	[sflag:s31] =	ssyncset.done $0x0  }
0x16: {  	[sflag:s31] =	ssyncadd.s32 $0xFFFFD800  }
.LBB2_5:
0x17: {  	[bflag:$0x0] =	sbarrier.arrive $0xFFFF;
	s4 =	simm.s32 $0x0;
	s31 =	simm.s32 $0x1  }
0x18: {  	[tilespmem:s4], [sflag:$0x1] =	stream.linear.gather [hbm4b:s3+s4], $0x4E20, $0x38;
	[tilespmem:$0xC780] =	vst v63  }
0x19: {  	_ =	swait.ge [sflag:s31], $0x4E20  }
0x1a: {  	[sflag:s31] =	ssyncset.done $0x0  }
0x1b: {  	v0 =	vimm.f32 $1.000000000e+00;
	s3 =	simm.s32 $0x40;
	s4 =	simm.s32 $0x0;
	[sflag:s31] =	ssyncadd.s32 $0xFFFFB1E0  }
.LBB2_6:
0x1c: {  	p1 =	sne.s32 s3, $0x13840;
	[tilespmem:s4+$0x4E80] =	vst v0;
	s4 =	smov.u32 s3;
	s3 =	sadd.s32 $0x40, s3  }
.Ltmp3:
0x1d: {  	(pc) =	sbr.rel @p1 .LBB2_6-.Ltmp3, $2  }
0x1e: {  	_ =	sdelay $0x2  }
0x1f: {  	s4 =	sshra.s32 s4, $0x2  }
0x20: {  	s3 =	simm.s32 $0x4E20  }
0x21: {  	[tilespmem:s4+$0x4E80] =	vst v0;
	s30 =	simm.s32 $0x0;
	s5 =	simm.s32 $0x4E80;
	s31 =	simm.s32 $0x1  }
0x22: {  	[spmem:s2] =	stream.indirect.scatter.add.f32 [tilespmem:s5], [sflag:$0x1], $0x1, s30, s3, $0xb8;
	[tilespmem:$0xC780] =	vst v63  }
0x23: {  	_ =	swait.ge [sflag:s31], $0x4E20  }
0x24: {  	[sflag:s31] =	ssyncset.done $0x0  }
0x25: {  	[sflag:s31] =	ssyncadd.s32 $0xFFFFB1E0  }
0x26: {  	s3 =	simm.s32 @!p0 $0x9D00;
	[bflag:$0x0] =	sbarrier.arrive $0xFFFF  }
0x27: {  	[tilespmem:s3], [sflag:$0x1] =	stream.linear.gather @!p0 [spmem:s2], $0x2710, $0x38;
	[tilespmem:$0xC780] =	vst v63  }
0x28: {  	s2 =	simm.s32 @!p0 $0x1  }
0x29: {  	_ =	swait.ge @!p0 [sflag:s2], $0x2710  }
0x2a: {  	[sflag:s2] =	ssyncset.done @!p0 $0x0  }
0x2b: {  	s4 =	simm.s32 @!p0 $0x0;
	[sflag:s2] =	ssyncadd.s32 @!p0 $0xFFFFD8F0  }
0x2c: {  	[hbm4b:s1+s4] =	stream.linear.scatter @!p0 [tilespmem:s3], [sflag:$0x1], $0x2710, $0x38;
	[tilespmem:$0xC780] =	vst v63  }
0x2d: {  	_ =	swait.ge @!p0 [sflag:s2], $0x2710  }
0x2e: {  	[sflag:s2] =	ssyncset.done @!p0 $0x0  }
0x2f: {  	[sflag:s2] =	ssyncadd.s32 @!p0 $0xFFFFD8F0  }
.LBB2_8:
0x30: {  	_ =	sfence.sel $0x180000  }
0x31: {  	[bflag:$0x0] =	sbarrier.arrive $0xFFFF  }
0x32: {  	_ =	strace $0x90000047  }
0x33: {  	s0 =	sadd.s32 @!p0 $0x100000, s0;
	[bflag:$0x2] =	sbarrier.arrive $0xFFFF  }
0x34: {  	[sflag:s0] =	ssyncadd.tile.s32 @!p0 $0x1;
	_ =	shalt  }
.Lfunc_end2:
_tile_overlayer_lowered:
.L_overlay_start_2:
0x35: {  	(tag) =	ssettag $0x2  }
0x36: {  	s0 =	rddreg [dreg:$0x0];
	s2 =	stileid.u32  }
0x37: {  	s1 =	rddreg [dreg:$0x1];
	p0 =	sne.s32 s2, $0x0  }
0x38: {  	s3 =	rddreg [dreg:$0x2];
	[bflag:$0x3] =	sbarrier.arrive $0xFFFF;
	s2 =	simm.s32 @!p0 $0x1C01  }
0x39: {  	[timem:s3], [sflag:s2] =	dma.local @!p0 [hbm:s0], s1  }
0x3a: {  	s0 =	simm.s32 @!p0 $0x1  }
0x3b: {  	_ =	swait.ge @!p0 [sflag:s0], s1  }
0x3c: {  	s1 =	ssub.s32 @!p0 $0x0, s1;
	[sflag:s0] =	ssyncset.done @!p0 $0x0  }
0x3d: {  	[sflag:s0] =	ssyncadd.s32 @!p0 s1  }
0x3e: {  	[bflag:$0x3] =	sbarrier.arrive $0xFFFF  }
0x3f: {  	_ =	shalt  }

</sc_bundles>
